<compile_context>
chip_gen: v7x
topology: tpu7x:2x2x1
jax: 0.10.2.dev20260603
libtpu: 0.0.44.dev20260713+nightly
codegen_flags: <defaults>
</compile_context>

<pallas_src>
import functools

import jax
import jax.numpy as jnp
from jax import lax
from jax.experimental import pallas as pl
from jax.experimental.pallas import tpu as pltpu
from jax.experimental.pallas import tpu_sc as plsc

_TARGET = 5.0
_K = 10000
_D = 128
_N = 100000
_B = 64
_RB = 2048
_NBLK = 49
_NPAD = _RB * _NBLK
_MAXBITS = 0x7FFFFFFF


_GW = 8
_RPW = _B // _GW


def _gather_w(iid, tgt_iid_table, lin_W):
    mesh = plsc.VectorSubcoreMesh(core_axis_name="c", subcore_axis_name="s")
    nc = plsc.get_sparse_core_info().num_cores

    @functools.partial(
        pl.kernel,
        mesh=mesh,
        out_type=jax.ShapeDtypeStruct((_B, _D), jnp.float32),
        scratch_types=[
            pltpu.VMEM((_RPW,), jnp.int32),
            pltpu.VMEM((_RPW, _D), jnp.float32),
            pltpu.VMEM((_D,), jnp.float32),
            pltpu.SemaphoreType.DMA,
        ],
    )
    def gw(iid_hbm, tbl_hbm, lin_hbm, w_hbm, idx_v, rows_v, lin_v, sem):
        wid = lax.axis_index("s") * nc + lax.axis_index("c")

        @pl.when(wid < _GW)
        def _():
            base = wid * _RPW
            pltpu.sync_copy(iid_hbm.at[pl.ds(base, _RPW)], idx_v)
            pltpu.sync_copy(lin_hbm, lin_v)
            pltpu.async_copy(tbl_hbm.at[idx_v], rows_v, sem).wait()
            for r in range(_RPW):
                for j in range(_D // 16):
                    s = pl.ds(j * 16, 16)
                    rows_v[r, s] = rows_v[r, s] * lin_v[s]
            pltpu.sync_copy(rows_v, w_hbm.at[pl.ds(base, _RPW)])

    return gw(iid, tgt_iid_table, lin_W.reshape(_D))


def _prep_kernel(feat_ref, rpw_ref, w_ref, s_ref):
    s_ref[0:_B, :] = lax.dot_general(
        feat_ref[...], rpw_ref[...], (((1,), (1,)), ((), ())),
        preferred_element_type=jnp.float32,
        precision=lax.Precision.DEFAULT,
    )
    s_ref[_B:2 * _B, :] = w_ref[...]


def _prep(feat, rp_W, w):
    return pl.pallas_call(
        _prep_kernel,
        out_shape=jax.ShapeDtypeStruct((2 * _B, _D), jnp.float32),
    )(feat, rp_W, w)


def _score_kernel(s_ref, uid_ref, bits_ref, vt_ref):
    i = pl.program_id(0)
    av = lax.dot_general(
        s_ref[...], uid_ref[...], (((1,), (1,)), ((), ())),
        preferred_element_type=jnp.float32,
        precision=lax.Precision.DEFAULT,
    )
    a = av[0:_B, :]
    v = av[_B:2 * _B, :]
    bits = lax.bitcast_convert_type(jnp.abs(a - _TARGET), jnp.int32)
    col = i * _RB + lax.broadcasted_iota(jnp.int32, (_B, _RB), 1)
    valid = col < _N
    bits_ref[...] = jnp.where(valid, bits, _MAXBITS)
    vt_ref[...] = jnp.where(valid, v, 0.0)


def _score(s, tgt_uid_table):
    return pl.pallas_call(
        _score_kernel,
        grid=(_NBLK,),
        in_specs=[
            pl.BlockSpec((2 * _B, _D), lambda i: (0, 0)),
            pl.BlockSpec((_RB, _D), lambda i: (i, 0)),
        ],
        out_specs=[
            pl.BlockSpec((_B, _RB), lambda i: (0, i)),
            pl.BlockSpec((_B, _RB), lambda i: (0, i)),
        ],
        out_shape=[
            jax.ShapeDtypeStruct((_B, _NPAD), jnp.int32),
            jax.ShapeDtypeStruct((_B, _NPAD), jnp.float32),
        ],
        compiler_params=pltpu.CompilerParams(
            dimension_semantics=("parallel",)),
    )(s, tgt_uid_table)


_QB = 13


def _select_kernel(bits_ref, vt_ref, out_ref):
    bits = bits_ref[...]

    def body(j, carry):
        p, cp = carry
        test = p | jnp.left_shift(jnp.int32(1), 30 - j)
        cnt = jnp.sum((bits < test).astype(jnp.int32), axis=1, keepdims=True)
        ok = cnt < _K
        return jnp.where(ok, test, p), jnp.where(ok, cnt, cp)

    zero = jnp.zeros((bits.shape[0], 1), jnp.int32)
    t, cp = lax.fori_loop(0, 31 - _QB, body, (zero, zero))

    v = vt_ref[...]
    lt = bits < t
    eq = (bits >> _QB) == (t >> _QB)
    cnt_lt = cp[:, 0]
    cnt_eq = jnp.sum(eq.astype(jnp.int32), axis=1)
    sum_lt = jnp.sum(jnp.where(lt, v, 0.0), axis=1)
    sum_eq = jnp.sum(jnp.where(eq, v, 0.0), axis=1)
    needed = (_K - cnt_lt).astype(jnp.float32)
    res = (sum_lt + needed * sum_eq / cnt_eq.astype(jnp.float32)) / _K
    out_ref[...] = jnp.broadcast_to(res[:, None], out_ref.shape)


def _select(bits, vt):
    nprog = 8
    cb = _B // nprog
    out = pl.pallas_call(
        _select_kernel,
        grid=(nprog,),
        in_specs=[
            pl.BlockSpec((cb, _NPAD), lambda i: (i, 0)),
            pl.BlockSpec((cb, _NPAD), lambda i: (i, 0)),
        ],
        out_specs=pl.BlockSpec((cb, 128), lambda i: (i, 0)),
        out_shape=jax.ShapeDtypeStruct((_B, 128), jnp.float32),
        compiler_params=pltpu.CompilerParams(
            dimension_semantics=("parallel",)),
    )(bits, vt)
    return out[:, 0]


@jax.jit
def kernel(x, tgt_uid_table, tgt_iid_table, rp_W, lin_W):
    iid = x[:, 0].astype(jnp.int32)
    feat = x[:, 1:_D + 1]
    w = _gather_w(iid, tgt_iid_table, lin_W)
    s = _prep(feat, rp_W, w)
    bits, vt = _score(s, tgt_uid_table)
    return _select(bits, vt)

# --- scband reference (transcript-rebuilt; emitter-appended) ---
"""Pipeline reference for scband-gmfbased-model-84653805404334 (READ-ONLY COPY).

The authoritative reference and input builder live on the scoring server;
editing this copy changes nothing except your own understanding.
"""

import jax, jax.numpy as jnp
import numpy as np

TARGET_LABEL = 5.0
TOPK = 10000
EMB_DIM = 128
UID_TGT = 100000
IID_TGT = 100000
B = 64


def setup_inputs(seed: int = 0) -> dict:
    key = jax.random.key(seed)
    k1, k2, k3, k4, k5, k6 = jax.random.split(key, 6)
    # x packs: column 0 = iid (stored as float, cast to int in forward),
    # columns 1..EMB_DIM = src_rate_pre feature vector
    iid_col = jax.random.randint(k1, (B, 1), 0, IID_TGT).astype(jnp.float32)
    feat = jax.random.normal(k2, (B, EMB_DIM), dtype=jnp.float32)
    x = jnp.concatenate([iid_col, feat], axis=1)
    tgt_uid_table = jax.random.normal(k3, (UID_TGT, EMB_DIM), dtype=jnp.float32) * 0.1
    tgt_iid_table = jax.random.normal(k4, (IID_TGT, EMB_DIM), dtype=jnp.float32) * 0.1
    rp_W = jax.random.normal(k5, (EMB_DIM, EMB_DIM), dtype=jnp.float32) * (1.0 / np.sqrt(EMB_DIM))
    lin_W = jax.random.normal(k6, (1, EMB_DIM), dtype=jnp.float32) * (1.0 / np.sqrt(EMB_DIM))
    return {"x": x, "tgt_uid_table": tgt_uid_table, "tgt_iid_table": tgt_iid_table,
            "rp_W": rp_W, "lin_W": lin_W}


def reference(x, tgt_uid_table, tgt_iid_table, rp_W, lin_W):
    # GMFBasedModel.forward(x, stage='test_source_free')
    n = x.shape[0]
    iid = x[:, 0].astype(jnp.int32)
    # tgt_model.embedding.iid_embedding(iid.unsqueeze(1)) -> [B, 1, D]
    iid_emb = jnp.take(tgt_iid_table, iid, axis=0)[:, None, :]
    # rp_mapping (Linear, no bias): y = x @ W.T
    src_rate_pre = x[:, 1:EMB_DIM + 1]
    src_rate_pre = src_rate_pre @ rp_W.T
    # predict_rate = |U @ q.T - target_label|  -> [UID_TGT, B]
    predict_rate = jnp.abs(tgt_uid_table @ src_rate_pre.T - TARGET_LABEL)
    # torch.sort(dim=0) -> take indices of smallest TOPK per column
    indices = jnp.argsort(predict_rate, axis=0)
    topk_indices = indices[:TOPK, :].T.reshape(-1)
    # gather topk user embeddings -> [B, TOPK, D]
    topk_uid_emb = jnp.take(tgt_uid_table, topk_indices, axis=0).reshape(n, TOPK, EMB_DIM)
    # voted_rating = linear((topk_uid_emb * iid_emb).view(B*TOPK, D)) -> [B, TOPK]
    prod = (topk_uid_emb * iid_emb).reshape(n * TOPK, EMB_DIM)
    voted = (prod @ lin_W.T).reshape(n, TOPK)
    return jnp.mean(voted, axis=1)

if __name__ == "__main__":
    import jax
    _d = setup_inputs()
    print(jax.jit(kernel)(*tuple(_d.values())))

</pallas_src>

<mosaic_0001>
#map = affine_map<(d0, d1) -> (0)>
#map1 = affine_map<(d0, d1) -> (0, 0)>
module attributes {stable_mosaic.version = 14 : i64} {
  func.func @gw(%arg0: i32, %arg1: i32, %arg2: memref<64xi32, #tpu.memory_space<hbm>>, %arg3: memref<100000x128xf32, #tpu.memory_space<hbm>>, %arg4: memref<128xf32, #tpu.memory_space<hbm>>, %arg5: memref<64x128xf32, #tpu.memory_space<hbm>>, %arg6: memref<8xi32, #tpu.memory_space<vmem>>, %arg7: memref<8x128xf32, #tpu.memory_space<vmem>>, %arg8: memref<128xf32, #tpu.memory_space<vmem>>, %arg9: memref<!tpu.dma_semaphore, #tpu.memory_space<semaphore_mem>>) attributes {dimension_semantics = [#tpu.dimension_semantics<core_parallel>, #tpu.dimension_semantics<subcore_parallel>], iteration_bounds = array<i64: 2, 16>, scalar_prefetch = 0 : i64, scratch_operands = 4 : i64, tpu.core_type = #tpu.core_type<sc_vector_subcore>, window_params = [{transform_indices = #map}, {transform_indices = #map1}, {transform_indices = #map}, {transform_indices = #map1}]} {
    %mul3A = arith.constant 2 : i32
    %mul3A_0 = arith.muli %arg1, %mul3A : i32
    %add3A = arith.addi %mul3A_0, %arg0 : i32
    %lt3A = arith.constant 8 : i32
    %lt3A_1 = arith.cmpi slt, %add3A, %lt3A : i32
    %convert_element_type3A = arith.extui %lt3A_1 : i1 to i32
    %cond3A = arith.constant 0 : i32
    %cond3A_2 = arith.cmpi ne, %convert_element_type3A, %cond3A : i32
    scf.if %cond3A_2 {
      %mul3A_3 = arith.constant 8 : i32
      %mul3A_4 = arith.muli %add3A, %mul3A_3 : i32
      "tpu.region"() ({
        %run_scoped3A = tpu.sem_alloc : memref<!tpu.dma_semaphore, #tpu.memory_space<semaphore_mem>>
        %dma_start3A_967 = tpu.memref_slice %arg2[%mul3A_4] : memref<64xi32, #tpu.memory_space<hbm>> -> memref<8xi32, #tpu.memory_space<hbm>>
        %dma_start3A_968 = tpu.memref_slice %arg2[%mul3A_4] : memref<64xi32, #tpu.memory_space<hbm>> -> memref<8xi32, #tpu.memory_space<hbm>>
        tpu.enqueue_dma source(%dma_start3A_968 : memref<8xi32, #tpu.memory_space<hbm>>) target(%arg6 : memref<8xi32, #tpu.memory_space<vmem>>) target_semaphore(%run_scoped3A : memref<!tpu.dma_semaphore, #tpu.memory_space<semaphore_mem>>)
        %dma_wait3A_969 = tpu.memref_slice %arg2[%mul3A_4] : memref<64xi32, #tpu.memory_space<hbm>> -> memref<8xi32, #tpu.memory_space<hbm>>
        %dma_wait3A_970 = tpu.memref_slice %arg2[%mul3A_4] : memref<64xi32, #tpu.memory_space<hbm>> -> memref<8xi32, #tpu.memory_space<hbm>>
        tpu.wait_dma2 semaphore(%run_scoped3A : memref<!tpu.dma_semaphore, #tpu.memory_space<semaphore_mem>>) src(%dma_wait3A_970 : memref<8xi32, #tpu.memory_space<hbm>>) dst(%arg6 : memref<8xi32, #tpu.memory_space<vmem>>)
        tpu.yield
      }) : () -> ()
      "tpu.region"() ({
        %run_scoped3A = tpu.sem_alloc : memref<!tpu.dma_semaphore, #tpu.memory_space<semaphore_mem>>
        tpu.enqueue_dma source(%arg4 : memref<128xf32, #tpu.memory_space<hbm>>) target(%arg8 : memref<128xf32, #tpu.memory_space<vmem>>) target_semaphore(%run_scoped3A : memref<!tpu.dma_semaphore, #tpu.memory_space<semaphore_mem>>)
        tpu.wait_dma2 semaphore(%run_scoped3A : memref<!tpu.dma_semaphore, #tpu.memory_space<semaphore_mem>>) src(%arg4 : memref<128xf32, #tpu.memory_space<hbm>>) dst(%arg8 : memref<128xf32, #tpu.memory_space<vmem>>)
        tpu.yield
      }) : () -> ()
      %dma_start3A = arith.constant 0 : i32
      %dma_start3A_5 = arith.constant 0 : i32
      %dma_start3A_6 = tpu.memref_slice %arg3[%dma_start3A, %dma_start3A_5] : memref<100000x128xf32, #tpu.memory_space<hbm>> -> memref<100000x128xf32, #tpu.memory_space<hbm>>
      tpu.enqueue_indirect_dma source(%dma_start3A_6 : memref<100000x128xf32, #tpu.memory_space<hbm>>) target(%arg7 : memref<8x128xf32, #tpu.memory_space<vmem>>) offsets(%arg6 : memref<8xi32, #tpu.memory_space<vmem>>) semaphore(%arg9 : memref<!tpu.dma_semaphore, #tpu.memory_space<semaphore_mem>>)
      %dma_wait3A = arith.constant 0 : i32
      %dma_wait3A_7 = arith.constant 0 : i32
      %dma_wait3A_8 = tpu.memref_slice %arg3[%dma_wait3A, %dma_wait3A_7] : memref<100000x128xf32, #tpu.memory_space<hbm>> -> memref<100000x128xf32, #tpu.memory_space<hbm>>
      tpu.wait_indirect_dma semaphore(%arg9 : memref<!tpu.dma_semaphore, #tpu.memory_space<semaphore_mem>>) src(%dma_wait3A_8 : memref<100000x128xf32, #tpu.memory_space<hbm>>) dst(%arg7 : memref<8x128xf32, #tpu.memory_space<vmem>>)
      %get3A = arith.constant 0 : i32
      %get3A_9 = arith.index_cast %get3A : i32 to index
      %get3A_10 = arith.constant 0 : index
      %get3A_11 = tpu.vector_load %arg7[%get3A_9, %get3A_10] {strides = array<i32>} : memref<8x128xf32, #tpu.memory_space<vmem>>, vector<1x16xf32>,
      %get3A_12 = vector.shape_cast %get3A_11 : vector<1x16xf32> to vector<16xf32>
      %get3A_13 = arith.constant 0 : index
      %get3A_14 = tpu.vector_load %arg8[%get3A_13] {strides = array<i32>} : memref<128xf32, #tpu.memory_space<vmem>>, vector<16xf32>,
      %get3A_15 = vector.shape_cast %get3A_14 : vector<16xf32> to vector<16xf32>
      %mul3A_16 = arith.mulf %get3A_12, %get3A_15 : vector<16xf32>
      %swap3A = arith.constant 0 : i32
      %swap3A_17 = arith.index_cast %swap3A : i32 to index
      %swap3A_18 = arith.constant 0 : index
      %swap3A_19 = tpu.vector_load %arg7[%swap3A_17, %swap3A_18] {strides = array<i32>} : memref<8x128xf32, #tpu.memory_space<vmem>>, vector<1x16xf32>,
      %swap3A_20 = vector.shape_cast %swap3A_19 : vector<1x16xf32> to vector<16xf32>
      %swap3A_21 = vector.shape_cast %mul3A_16 : vector<16xf32> to vector<1x16xf32>
      tpu.vector_store %arg7[%swap3A_17, %swap3A_18], %swap3A_21 {strides = array<i32>} : memref<8x128xf32, #tpu.memory_space<vmem>>, vector<1x16xf32>,
      %get3A_22 = arith.constant 0 : i32
      %get3A_23 = arith.index_cast %get3A_22 : i32 to index
      %get3A_24 = arith.constant 16 : index
      %get3A_25 = tpu.vector_load %arg7[%get3A_23, %get3A_24] {strides = array<i32>} : memref<8x128xf32, #tpu.memory_space<vmem>>, vector<1x16xf32>,
      %get3A_26 = vector.shape_cast %get3A_25 : vector<1x16xf32> to vector<16xf32>
      %get3A_27 = arith.constant 16 : index
      %get3A_28 = tpu.vector_load %arg8[%get3A_27] {strides = array<i32>} : memref<128xf32, #tpu.memory_space<vmem>>, vector<16xf32>,
      %get3A_29 = vector.shape_cast %get3A_28 : vector<16xf32> to vector<16xf32>
      %mul3A_30 = arith.mulf %get3A_26, %get3A_29 : vector<16xf32>
      %swap3A_31 = arith.constant 0 : i32
      %swap3A_32 = arith.index_cast %swap3A_31 : i32 to index
      %swap3A_33 = arith.constant 16 : index
      %swap3A_34 = tpu.vector_load %arg7[%swap3A_32, %swap3A_33] {strides = array<i32>} : memref<8x128xf32, #tpu.memory_space<vmem>>, vector<1x16xf32>,
      %swap3A_35 = vector.shape_cast %swap3A_34 : vector<1x16xf32> to vector<16xf32>
      %swap3A_36 = vector.shape_cast %mul3A_30 : vector<16xf32> to vector<1x16xf32>
      tpu.vector_store %arg7[%swap3A_32, %swap3A_33], %swap3A_36 {strides = array<i32>} : memref<8x128xf32, #tpu.memory_space<vmem>>, vector<1x16xf32>,
      %get3A_37 = arith.constant 0 : i32
      %get3A_38 = arith.index_cast %get3A_37 : i32 to index
      %get3A_39 = arith.constant 32 : index
      %get3A_40 = tpu.vector_load %arg7[%get3A_38, %get3A_39] {strides = array<i32>} : memref<8x128xf32, #tpu.memory_space<vmem>>, vector<1x16xf32>,
      %get3A_41 = vector.shape_cast %get3A_40 : vector<1x16xf32> to vector<16xf32>
      %get3A_42 = arith.constant 32 : index
      %get3A_43 = tpu.vector_load %arg8[%get3A_42] {strides = array<i32>} : memref<128xf32, #tpu.memory_space<vmem>>, vector<16xf32>,
      %get3A_44 = vector.shape_cast %get3A_43 : vector<16xf32> to vector<16xf32>
      %mul3A_45 = arith.mulf %get3A_41, %get3A_44 : vector<16xf32>
      %swap3A_46 = arith.constant 0 : i32
      %swap3A_47 = arith.index_cast %swap3A_46 : i32 to index
      %swap3A_48 = arith.constant 32 : index
      %swap3A_49 = tpu.vector_load %arg7[%swap3A_47, %swap3A_48] {strides = array<i32>} : memref<8x128xf32, #tpu.memory_space<vmem>>, vector<1x16xf32>,
      %swap3A_50 = vector.shape_cast %swap3A_49 : vector<1x16xf32> to vector<16xf32>
      %swap3A_51 = vector.shape_cast %mul3A_45 : vector<16xf32> to vector<1x16xf32>
      tpu.vector_store %arg7[%swap3A_47, %swap3A_48], %swap3A_51 {strides = array<i32>} : memref<8x128xf32, #tpu.memory_space<vmem>>, vector<1x16xf32>,
      %get3A_52 = arith.constant 0 : i32
      %get3A_53 = arith.index_cast %get3A_52 : i32 to index
      %get3A_54 = arith.constant 48 : index
      %get3A_55 = tpu.vector_load %arg7[%get3A_53, %get3A_54] {strides = array<i32>} : memref<8x128xf32, #tpu.memory_space<vmem>>, vector<1x16xf32>,
      %get3A_56 = vector.shape_cast %get3A_55 : vector<1x16xf32> to vector<16xf32>
      %get3A_57 = arith.constant 48 : index
      %get3A_58 = tpu.vector_load %arg8[%get3A_57] {strides = array<i32>} : memref<128xf32, #tpu.memory_space<vmem>>, vector<16xf32>,
      %get3A_59 = vector.shape_cast %get3A_58 : vector<16xf32> to vector<16xf32>
      %mul3A_60 = arith.mulf %get3A_56, %get3A_59 : vector<16xf32>
      %swap3A_61 = arith.constant 0 : i32
      %swap3A_62 = arith.index_cast %swap3A_61 : i32 to index
      %swap3A_63 = arith.constant 48 : index
      %swap3A_64 = tpu.vector_load %arg7[%swap3A_62, %swap3A_63] {strides = array<i32>} : memref<8x128xf32, #tpu.memory_space<vmem>>, vector<1x16xf32>,
      %swap3A_65 = vector.shape_cast %swap3A_64 : vector<1x16xf32> to vector<16xf32>
      %swap3A_66 = vector.shape_cast %mul3A_60 : vector<16xf32> to vector<1x16xf32>
      tpu.vector_store %arg7[%swap3A_62, %swap3A_63], %swap3A_66 {strides = array<i32>} : memref<8x128xf32, #tpu.memory_space<vmem>>, vector<1x16xf32>,
      %get3A_67 = arith.constant 0 : i32
      %get3A_68 = arith.index_cast %get3A_67 : i32 to index
      %get3A_69 = arith.constant 64 : index
      %get3A_70 = tpu.vector_load %arg7[%get3A_68, %get3A_69] {strides = array<i32>} : memref<8x128xf32, #tpu.memory_space<vmem>>, vector<1x16xf32>,
      %get3A_71 = vector.shape_cast %get3A_70 : vector<1x16xf32> to vector<16xf32>
      %get3A_72 = arith.constant 64 : index
      %get3A_73 = tpu.vector_load %arg8[%get3A_72] {strides = array<i32>} : memref<128xf32, #tpu.memory_space<vmem>>, vector<16xf32>,
      %get3A_74 = vector.shape_cast %get3A_73 : vector<16xf32> to vector<16xf32>
      %mul3A_75 = arith.mulf %get3A_71, %get3A_74 : vector<16xf32>
      %swap3A_76 = arith.constant 0 : i32
      %swap3A_77 = arith.index_cast %swap3A_76 : i32 to index
      %swap3A_78 = arith.constant 64 : index
      %swap3A_79 = tpu.vector_load %arg7[%swap3A_77, %swap3A_78] {strides = array<i32>} : memref<8x128xf32, #tpu.memory_space<vmem>>, vector<1x16xf32>,
      %swap3A_80 = vector.shape_cast %swap3A_79 : vector<1x16xf32> to vector<16xf32>
      %swap3A_81 = vector.shape_cast %mul3A_75 : vector<16xf32> to vector<1x16xf32>
      tpu.vector_store %arg7[%swap3A_77, %swap3A_78], %swap3A_81 {strides = array<i32>} : memref<8x128xf32, #tpu.memory_space<vmem>>, vector<1x16xf32>,
      %get3A_82 = arith.constant 0 : i32
      %get3A_83 = arith.index_cast %get3A_82 : i32 to index
      %get3A_84 = arith.constant 80 : index
      %get3A_85 = tpu.vector_load %arg7[%get3A_83, %get3A_84] {strides = array<i32>} : memref<8x128xf32, #tpu.memory_space<vmem>>, vector<1x16xf32>,
      %get3A_86 = vector.shape_cast %get3A_85 : vector<1x16xf32> to vector<16xf32>
      %get3A_87 = arith.constant 80 : index
      %get3A_88 = tpu.vector_load %arg8[%get3A_87] {strides = array<i32>} : memref<128xf32, #tpu.memory_space<vmem>>, vector<16xf32>,
      %get3A_89 = vector.shape_cast %get3A_88 : vector<16xf32> to vector<16xf32>
      %mul3A_90 = arith.mulf %get3A_86, %get3A_89 : vector<16xf32>
      %swap3A_91 = arith.constant 0 : i32
      %swap3A_92 = arith.index_cast %swap3A_91 : i32 to index
      %swap3A_93 = arith.constant 80 : index
      %swap3A_94 = tpu.vector_load %arg7[%swap3A_92, %swap3A_93] {strides = array<i32>} : memref<8x128xf32, #tpu.memory_space<vmem>>, vector<1x16xf32>,
      %swap3A_95 = vector.shape_cast %swap3A_94 : vector<1x16xf32> to vector<16xf32>
      %swap3A_96 = vector.shape_cast %mul3A_90 : vector<16xf32> to vector<1x16xf32>
      tpu.vector_store %arg7[%swap3A_92, %swap3A_93], %swap3A_96 {strides = array<i32>} : memref<8x128xf32, #tpu.memory_space<vmem>>, vector<1x16xf32>,
      %get3A_97 = arith.constant 0 : i32
      %get3A_98 = arith.index_cast %get3A_97 : i32 to index
      %get3A_99 = arith.constant 96 : index
      %get3A_100 = tpu.vector_load %arg7[%get3A_98, %get3A_99] {strides = array<i32>} : memref<8x128xf32, #tpu.memory_space<vmem>>, vector<1x16xf32>,
      %get3A_101 = vector.shape_cast %get3A_100 : vector<1x16xf32> to vector<16xf32>
      %get3A_102 = arith.constant 96 : index
      %get3A_103 = tpu.vector_load %arg8[%get3A_102] {strides = array<i32>} : memref<128xf32, #tpu.memory_space<vmem>>, vector<16xf32>,
      %get3A_104 = vector.shape_cast %get3A_103 : vector<16xf32> to vector<16xf32>
      %mul3A_105 = arith.mulf %get3A_101, %get3A_104 : vector<16xf32>
      %swap3A_106 = arith.constant 0 : i32
      %swap3A_107 = arith.index_cast %swap3A_106 : i32 to index
      %swap3A_108 = arith.constant 96 : index
      %swap3A_109 = tpu.vector_load %arg7[%swap3A_107, %swap3A_108] {strides = array<i32>} : memref<8x128xf32, #tpu.memory_space<vmem>>, vector<1x16xf32>,
      %swap3A_110 = vector.shape_cast %swap3A_109 : vector<1x16xf32> to vector<16xf32>
      %swap3A_111 = vector.shape_cast %mul3A_105 : vector<16xf32> to vector<1x16xf32>
      tpu.vector_store %arg7[%swap3A_107, %swap3A_108], %swap3A_111 {strides = array<i32>} : memref<8x128xf32, #tpu.memory_space<vmem>>, vector<1x16xf32>,
      %get3A_112 = arith.constant 0 : i32
      %get3A_113 = arith.index_cast %get3A_112 : i32 to index
      %get3A_114 = arith.constant 112 : index
      %get3A_115 = tpu.vector_load %arg7[%get3A_113, %get3A_114] {strides = array<i32>} : memref<8x128xf32, #tpu.memory_space<vmem>>, vector<1x16xf32>,
      %get3A_116 = vector.shape_cast %get3A_115 : vector<1x16xf32> to vector<16xf32>
      %get3A_117 = arith.constant 112 : index
      %get3A_118 = tpu.vector_load %arg8[%get3A_117] {strides = array<i32>} : memref<128xf32, #tpu.memory_space<vmem>>, vector<16xf32>,
      %get3A_119 = vector.shape_cast %get3A_118 : vector<16xf32> to vector<16xf32>
      %mul3A_120 = arith.mulf %get3A_116, %get3A_119 : vector<16xf32>
      %swap3A_121 = arith.constant 0 : i32
      %swap3A_122 = arith.index_cast %swap3A_121 : i32 to index
      %swap3A_123 = arith.constant 112 : index
      %swap3A_124 = tpu.vector_load %arg7[%swap3A_122, %swap3A_123] {strides = array<i32>} : memref<8x128xf32, #tpu.memory_space<vmem>>, vector<1x16xf32>,
      %swap3A_125 = vector.shape_cast %swap3A_124 : vector<1x16xf32> to vector<16xf32>
      %swap3A_126 = vector.shape_cast %mul3A_120 : vector<16xf32> to vector<1x16xf32>
      tpu.vector_store %arg7[%swap3A_122, %swap3A_123], %swap3A_126 {strides = array<i32>} : memref<8x128xf32, #tpu.memory_space<vmem>>, vector<1x16xf32>,
      %get3A_127 = arith.constant 1 : i32
      %get3A_128 = arith.index_cast %get3A_127 : i32 to index
      %get3A_129 = arith.constant 0 : index
      %get3A_130 = tpu.vector_load %arg7[%get3A_128, %get3A_129] {strides = array<i32>} : memref<8x128xf32, #tpu.memory_space<vmem>>, vector<1x16xf32>,
      %get3A_131 = vector.shape_cast %get3A_130 : vector<1x16xf32> to vector<16xf32>
      %get3A_132 = arith.constant 0 : index
      %get3A_133 = tpu.vector_load %arg8[%get3A_132] {strides = array<i32>} : memref<128xf32, #tpu.memory_space<vmem>>, vector<16xf32>,
      %get3A_134 = vector.shape_cast %get3A_133 : vector<16xf32> to vector<16xf32>
      %mul3A_135 = arith.mulf %get3A_131, %get3A_134 : vector<16xf32>
      %swap3A_136 = arith.constant 1 : i32
      %swap3A_137 = arith.index_cast %swap3A_136 : i32 to index
      %swap3A_138 = arith.constant 0 : index
      %swap3A_139 = tpu.vector_load %arg7[%swap3A_137, %swap3A_138] {strides = array<i32>} : memref<8x128xf32, #tpu.memory_space<vmem>>, vector<1x16xf32>,
      %swap3A_140 = vector.shape_cast %swap3A_139 : vector<1x16xf32> to vector<16xf32>
      %swap3A_141 = vector.shape_cast %mul3A_135 : vector<16xf32> to vector<1x16xf32>
      tpu.vector_store %arg7[%swap3A_137, %swap3A_138], %swap3A_141 {strides = array<i32>} : memref<8x128xf32, #tpu.memory_space<vmem>>, vector<1x16xf32>,
      %get3A_142 = arith.constant 1 : i32
      %get3A_143 = arith.index_cast %get3A_142 : i32 to index
      %get3A_144 = arith.constant 16 : index
      %get3A_145 = tpu.vector_load %arg7[%get3A_143, %get3A_144] {strides = array<i32>} : memref<8x128xf32, #tpu.memory_space<vmem>>, vector<1x16xf32>,
      %get3A_146 = vector.shape_cast %get3A_145 : vector<1x16xf32> to vector<16xf32>
      %get3A_147 = arith.constant 16 : index
      %get3A_148 = tpu.vector_load %arg8[%get3A_147] {strides = array<i32>} : memref<128xf32, #tpu.memory_space<vmem>>, vector<16xf32>,
      %get3A_149 = vector.shape_cast %get3A_148 : vector<16xf32> to vector<16xf32>
      %mul3A_150 = arith.mulf %get3A_146, %get3A_149 : vector<16xf32>
      %swap3A_151 = arith.constant 1 : i32
      %swap3A_152 = arith.index_cast %swap3A_151 : i32 to index
      %swap3A_153 = arith.constant 16 : index
      %swap3A_154 = tpu.vector_load %arg7[%swap3A_152, %swap3A_153] {strides = array<i32>} : memref<8x128xf32, #tpu.memory_space<vmem>>, vector<1x16xf32>,
      %swap3A_155 = vector.shape_cast %swap3A_154 : vector<1x16xf32> to vector<16xf32>
      %swap3A_156 = vector.shape_cast %mul3A_150 : vector<16xf32> to vector<1x16xf32>
      tpu.vector_store %arg7[%swap3A_152, %swap3A_153], %swap3A_156 {strides = array<i32>} : memref<8x128xf32, #tpu.memory_space<vmem>>, vector<1x16xf32>,
      %get3A_157 = arith.constant 1 : i32
      %get3A_158 = arith.index_cast %get3A_157 : i32 to index
      %get3A_159 = arith.constant 32 : index
      %get3A_160 = tpu.vector_load %arg7[%get3A_158, %get3A_159] {strides = array<i32>} : memref<8x128xf32, #tpu.memory_space<vmem>>, vector<1x16xf32>,
      %get3A_161 = vector.shape_cast %get3A_160 : vector<1x16xf32> to vector<16xf32>
      %get3A_162 = arith.constant 32 : index
      %get3A_163 = tpu.vector_load %arg8[%get3A_162] {strides = array<i32>} : memref<128xf32, #tpu.memory_space<vmem>>, vector<16xf32>,
      %get3A_164 = vector.shape_cast %get3A_163 : vector<16xf32> to vector<16xf32>
      %mul3A_165 = arith.mulf %get3A_161, %get3A_164 : vector<16xf32>
      %swap3A_166 = arith.constant 1 : i32
      %swap3A_167 = arith.index_cast %swap3A_166 : i32 to index
      %swap3A_168 = arith.constant 32 : index
      %swap3A_169 = tpu.vector_load %arg7[%swap3A_167, %swap3A_168] {strides = array<i32>} : memref<8x128xf32, #tpu.memory_space<vmem>>, vector<1x16xf32>,
      %swap3A_170 = vector.shape_cast %swap3A_169 : vector<1x16xf32> to vector<16xf32>
      %swap3A_171 = vector.shape_cast %mul3A_165 : vector<16xf32> to vector<1x16xf32>
      tpu.vector_store %arg7[%swap3A_167, %swap3A_168], %swap3A_171 {strides = array<i32>} : memref<8x128xf32, #tpu.memory_space<vmem>>, vector<1x16xf32>,
      %get3A_172 = arith.constant 1 : i32
      %get3A_173 = arith.index_cast %get3A_172 : i32 to index
      %get3A_174 = arith.constant 48 : index
      %get3A_175 = tpu.vector_load %arg7[%get3A_173, %get3A_174] {strides = array<i32>} : memref<8x128xf32, #tpu.memory_space<vmem>>, vector<1x16xf32>,
      %get3A_176 = vector.shape_cast %get3A_175 : vector<1x16xf32> to vector<16xf32>
      %get3A_177 = arith.constant 48 : index
      %get3A_178 = tpu.vector_load %arg8[%get3A_177] {strides = array<i32>} : memref<128xf32, #tpu.memory_space<vmem>>, vector<16xf32>,
      %get3A_179 = vector.shape_cast %get3A_178 : vector<16xf32> to vector<16xf32>
      %mul3A_180 = arith.mulf %get3A_176, %get3A_179 : vector<16xf32>
      %swap3A_181 = arith.constant 1 : i32
      %swap3A_182 = arith.index_cast %swap3A_181 : i32 to index
      %swap3A_183 = arith.constant 48 : index
      %swap3A_184 = tpu.vector_load %arg7[%swap3A_182, %swap3A_183] {strides = array<i32>} : memref<8x128xf32, #tpu.memory_space<vmem>>, vector<1x16xf32>,
      %swap3A_185 = vector.shape_cast %swap3A_184 : vector<1x16xf32> to vector<16xf32>
      %swap3A_186 = vector.shape_cast %mul3A_180 : vector<16xf32> to vector<1x16xf32>
      tpu.vector_store %arg7[%swap3A_182, %swap3A_183], %swap3A_186 {strides = array<i32>} : memref<8x128xf32, #tpu.memory_space<vmem>>, vector<1x16xf32>,
      %get3A_187 = arith.constant 1 : i32
      %get3A_188 = arith.index_cast %get3A_187 : i32 to index
      %get3A_189 = arith.constant 64 : index
      %get3A_190 = tpu.vector_load %arg7[%get3A_188, %get3A_189] {strides = array<i32>} : memref<8x128xf32, #tpu.memory_space<vmem>>, vector<1x16xf32>,
      %get3A_191 = vector.shape_cast %get3A_190 : vector<1x16xf32> to vector<16xf32>
      %get3A_192 = arith.constant 64 : index
      %get3A_193 = tpu.vector_load %arg8[%get3A_192] {strides = array<i32>} : memref<128xf32, #tpu.memory_space<vmem>>, vector<16xf32>,
      %get3A_194 = vector.shape_cast %get3A_193 : vector<16xf32> to vector<16xf32>
      %mul3A_195 = arith.mulf %get3A_191, %get3A_194 : vector<16xf32>
      %swap3A_196 = arith.constant 1 : i32
      %swap3A_197 = arith.index_cast %swap3A_196 : i32 to index
      %swap3A_198 = arith.constant 64 : index
      %swap3A_199 = tpu.vector_load %arg7[%swap3A_197, %swap3A_198] {strides = array<i32>} : memref<8x128xf32, #tpu.memory_space<vmem>>, vector<1x16xf32>,
      %swap3A_200 = vector.shape_cast %swap3A_199 : vector<1x16xf32> to vector<16xf32>
      %swap3A_201 = vector.shape_cast %mul3A_195 : vector<16xf32> to vector<1x16xf32>
      tpu.vector_store %arg7[%swap3A_197, %swap3A_198], %swap3A_201 {strides = array<i32>} : memref<8x128xf32, #tpu.memory_space<vmem>>, vector<1x16xf32>,
      %get3A_202 = arith.constant 1 : i32
      %get3A_203 = arith.index_cast %get3A_202 : i32 to index
      %get3A_204 = arith.constant 80 : index
      %get3A_205 = tpu.vector_load %arg7[%get3A_203, %get3A_204] {strides = array<i32>} : memref<8x128xf32, #tpu.memory_space<vmem>>, vector<1x16xf32>,
      %get3A_206 = vector.shape_cast %get3A_205 : vector<1x16xf32> to vector<16xf32>
      %get3A_207 = arith.constant 80 : index
      %get3A_208 = tpu.vector_load %arg8[%get3A_207] {strides = array<i32>} : memref<128xf32, #tpu.memory_space<vmem>>, vector<16xf32>,
      %get3A_209 = vector.shape_cast %get3A_208 : vector<16xf32> to vector<16xf32>
      %mul3A_210 = arith.mulf %get3A_206, %get3A_209 : vector<16xf32>
      %swap3A_211 = arith.constant 1 : i32
      %swap3A_212 = arith.index_cast %swap3A_211 : i32 to index
      %swap3A_213 = arith.constant 80 : index
      %swap3A_214 = tpu.vector_load %arg7[%swap3A_212, %swap3A_213] {strides = array<i32>} : memref<8x128xf32, #tpu.memory_space<vmem>>, vector<1x16xf32>,
      %swap3A_215 = vector.shape_cast %swap3A_214 : vector<1x16xf32> to vector<16xf32>
      %swap3A_216 = vector.shape_cast %mul3A_210 : vector<16xf32> to vector<1x16xf32>
      tpu.vector_store %arg7[%swap3A_212, %swap3A_213], %swap3A_216 {strides = array<i32>} : memref<8x128xf32, #tpu.memory_space<vmem>>, vector<1x16xf32>,
      %get3A_217 = arith.constant 1 : i32
      %get3A_218 = arith.index_cast %get3A_217 : i32 to index
      %get3A_219 = arith.constant 96 : index
      %get3A_220 = tpu.vector_load %arg7[%get3A_218, %get3A_219] {strides = array<i32>} : memref<8x128xf32, #tpu.memory_space<vmem>>, vector<1x16xf32>,
      %get3A_221 = vector.shape_cast %get3A_220 : vector<1x16xf32> to vector<16xf32>
      %get3A_222 = arith.constant 96 : index
      %get3A_223 = tpu.vector_load %arg8[%get3A_222] {strides = array<i32>} : memref<128xf32, #tpu.memory_space<vmem>>, vector<16xf32>,
      %get3A_224 = vector.shape_cast %get3A_223 : vector<16xf32> to vector<16xf32>
      %mul3A_225 = arith.mulf %get3A_221, %get3A_224 : vector<16xf32>
      %swap3A_226 = arith.constant 1 : i32
      %swap3A_227 = arith.index_cast %swap3A_226 : i32 to index
      %swap3A_228 = arith.constant 96 : index
      %swap3A_229 = tpu.vector_load %arg7[%swap3A_227, %swap3A_228] {strides = array<i32>} : memref<8x128xf32, #tpu.memory_space<vmem>>, vector<1x16xf32>,
      %swap3A_230 = vector.shape_cast %swap3A_229 : vector<1x16xf32> to vector<16xf32>
      %swap3A_231 = vector.shape_cast %mul3A_225 : vector<16xf32> to vector<1x16xf32>
      tpu.vector_store %arg7[%swap3A_227, %swap3A_228], %swap3A_231 {strides = array<i32>} : memref<8x128xf32, #tpu.memory_space<vmem>>, vector<1x16xf32>,
      %get3A_232 = arith.constant 1 : i32
      %get3A_233 = arith.index_cast %get3A_232 : i32 to index
      %get3A_234 = arith.constant 112 : index
      %get3A_235 = tpu.vector_load %arg7[%get3A_233, %get3A_234] {strides = array<i32>} : memref<8x128xf32, #tpu.memory_space<vmem>>, vector<1x16xf32>,
      %get3A_236 = vector.shape_cast %get3A_235 : vector<1x16xf32> to vector<16xf32>
      %get3A_237 = arith.constant 112 : index
      %get3A_238 = tpu.vector_load %arg8[%get3A_237] {strides = array<i32>} : memref<128xf32, #tpu.memory_space<vmem>>, vector<16xf32>,
      %get3A_239 = vector.shape_cast %get3A_238 : vector<16xf32> to vector<16xf32>
      %mul3A_240 = arith.mulf %get3A_236, %get3A_239 : vector<16xf32>
      %swap3A_241 = arith.constant 1 : i32
      %swap3A_242 = arith.index_cast %swap3A_241 : i32 to index
      %swap3A_243 = arith.constant 112 : index
      %swap3A_244 = tpu.vector_load %arg7[%swap3A_242, %swap3A_243] {strides = array<i32>} : memref<8x128xf32, #tpu.memory_space<vmem>>, vector<1x16xf32>,
      %swap3A_245 = vector.shape_cast %swap3A_244 : vector<1x16xf32> to vector<16xf32>
      %swap3A_246 = vector.shape_cast %mul3A_240 : vector<16xf32> to vector<1x16xf32>
      tpu.vector_store %arg7[%swap3A_242, %swap3A_243], %swap3A_246 {strides = array<i32>} : memref<8x128xf32, #tpu.memory_space<vmem>>, vector<1x16xf32>,
      %get3A_247 = arith.constant 2 : i32
      %get3A_248 = arith.index_cast %get3A_247 : i32 to index
      %get3A_249 = arith.constant 0 : index
      %get3A_250 = tpu.vector_load %arg7[%get3A_248, %get3A_249] {strides = array<i32>} : memref<8x128xf32, #tpu.memory_space<vmem>>, vector<1x16xf32>,
      %get3A_251 = vector.shape_cast %get3A_250 : vector<1x16xf32> to vector<16xf32>
      %get3A_252 = arith.constant 0 : index
      %get3A_253 = tpu.vector_load %arg8[%get3A_252] {strides = array<i32>} : memref<128xf32, #tpu.memory_space<vmem>>, vector<16xf32>,
      %get3A_254 = vector.shape_cast %get3A_253 : vector<16xf32> to vector<16xf32>
      %mul3A_255 = arith.mulf %get3A_251, %get3A_254 : vector<16xf32>
      %swap3A_256 = arith.constant 2 : i32
      %swap3A_257 = arith.index_cast %swap3A_256 : i32 to index
      %swap3A_258 = arith.constant 0 : index
      %swap3A_259 = tpu.vector_load %arg7[%swap3A_257, %swap3A_258] {strides = array<i32>} : memref<8x128xf32, #tpu.memory_space<vmem>>, vector<1x16xf32>,
      %swap3A_260 = vector.shape_cast %swap3A_259 : vector<1x16xf32> to vector<16xf32>
      %swap3A_261 = vector.shape_cast %mul3A_255 : vector<16xf32> to vector<1x16xf32>
      tpu.vector_store %arg7[%swap3A_257, %swap3A_258], %swap3A_261 {strides = array<i32>} : memref<8x128xf32, #tpu.memory_space<vmem>>, vector<1x16xf32>,
      %get3A_262 = arith.constant 2 : i32
      %get3A_263 = arith.index_cast %get3A_262 : i32 to index
      %get3A_264 = arith.constant 16 : index
      %get3A_265 = tpu.vector_load %arg7[%get3A_263, %get3A_264] {strides = array<i32>} : memref<8x128xf32, #tpu.memory_space<vmem>>, vector<1x16xf32>,
      %get3A_266 = vector.shape_cast %get3A_265 : vector<1x16xf32> to vector<16xf32>
      %get3A_267 = arith.constant 16 : index
      %get3A_268 = tpu.vector_load %arg8[%get3A_267] {strides = array<i32>} : memref<128xf32, #tpu.memory_space<vmem>>, vector<16xf32>,
      %get3A_269 = vector.shape_cast %get3A_268 : vector<16xf32> to vector<16xf32>
      %mul3A_270 = arith.mulf %get3A_266, %get3A_269 : vector<16xf32>
      %swap3A_271 = arith.constant 2 : i32
      %swap3A_272 = arith.index_cast %swap3A_271 : i32 to index
      %swap3A_273 = arith.constant 16 : index
      %swap3A_274 = tpu.vector_load %arg7[%swap3A_272, %swap3A_273] {strides = array<i32>} : memref<8x128xf32, #tpu.memory_space<vmem>>, vector<1x16xf32>,
      %swap3A_275 = vector.shape_cast %swap3A_274 : vector<1x16xf32> to vector<16xf32>
      %swap3A_276 = vector.shape_cast %mul3A_270 : vector<16xf32> to vector<1x16xf32>
      tpu.vector_store %arg7[%swap3A_272, %swap3A_273], %swap3A_276 {strides = array<i32>} : memref<8x128xf32, #tpu.memory_space<vmem>>, vector<1x16xf32>,
      %get3A_277 = arith.constant 2 : i32
      %get3A_278 = arith.index_cast %get3A_277 : i32 to index
      %get3A_279 = arith.constant 32 : index
      %get3A_280 = tpu.vector_load %arg7[%get3A_278, %get3A_279] {strides = array<i32>} : memref<8x128xf32, #tpu.memory_space<vmem>>, vector<1x16xf32>,
      %get3A_281 = vector.shape_cast %get3A_280 : vector<1x16xf32> to vector<16xf32>
      %get3A_282 = arith.constant 32 : index
      %get3A_283 = tpu.vector_load %arg8[%get3A_282] {strides = array<i32>} : memref<128xf32, #tpu.memory_space<vmem>>, vector<16xf32>,
      %get3A_284 = vector.shape_cast %get3A_283 : vector<16xf32> to vector<16xf32>
      %mul3A_285 = arith.mulf %get3A_281, %get3A_284 : vector<16xf32>
      %swap3A_286 = arith.constant 2 : i32
      %swap3A_287 = arith.index_cast %swap3A_286 : i32 to index
      %swap3A_288 = arith.constant 32 : index
      %swap3A_289 = tpu.vector_load %arg7[%swap3A_287, %swap3A_288] {strides = array<i32>} : memref<8x128xf32, #tpu.memory_space<vmem>>, vector<1x16xf32>,
      %swap3A_290 = vector.shape_cast %swap3A_289 : vector<1x16xf32> to vector<16xf32>
      %swap3A_291 = vector.shape_cast %mul3A_285 : vector<16xf32> to vector<1x16xf32>
      tpu.vector_store %arg7[%swap3A_287, %swap3A_288], %swap3A_291 {strides = array<i32>} : memref<8x128xf32, #tpu.memory_space<vmem>>, vector<1x16xf32>,
      %get3A_292 = arith.constant 2 : i32
      %get3A_293 = arith.index_cast %get3A_292 : i32 to index
      %get3A_294 = arith.constant 48 : index
      %get3A_295 = tpu.vector_load %arg7[%get3A_293, %get3A_294] {strides = array<i32>} : memref<8x128xf32, #tpu.memory_space<vmem>>, vector<1x16xf32>,
      %get3A_296 = vector.shape_cast %get3A_295 : vector<1x16xf32> to vector<16xf32>
      %get3A_297 = arith.constant 48 : index
      %get3A_298 = tpu.vector_load %arg8[%get3A_297] {strides = array<i32>} : memref<128xf32, #tpu.memory_space<vmem>>, vector<16xf32>,
      %get3A_299 = vector.shape_cast %get3A_298 : vector<16xf32> to vector<16xf32>
      %mul3A_300 = arith.mulf %get3A_296, %get3A_299 : vector<16xf32>
      %swap3A_301 = arith.constant 2 : i32
      %swap3A_302 = arith.index_cast %swap3A_301 : i32 to index
      %swap3A_303 = arith.constant 48 : index
      %swap3A_304 = tpu.vector_load %arg7[%swap3A_302, %swap3A_303] {strides = array<i32>} : memref<8x128xf32, #tpu.memory_space<vmem>>, vector<1x16xf32>,
      %swap3A_305 = vector.shape_cast %swap3A_304 : vector<1x16xf32> to vector<16xf32>
      %swap3A_306 = vector.shape_cast %mul3A_300 : vector<16xf32> to vector<1x16xf32>
      tpu.vector_store %arg7[%swap3A_302, %swap3A_303], %swap3A_306 {strides = array<i32>} : memref<8x128xf32, #tpu.memory_space<vmem>>, vector<1x16xf32>,
      %get3A_307 = arith.constant 2 : i32
      %get3A_308 = arith.index_cast %get3A_307 : i32 to index
      %get3A_309 = arith.constant 64 : index
      %get3A_310 = tpu.vector_load %arg7[%get3A_308, %get3A_309] {strides = array<i32>} : memref<8x128xf32, #tpu.memory_space<vmem>>, vector<1x16xf32>,
      %get3A_311 = vector.shape_cast %get3A_310 : vector<1x16xf32> to vector<16xf32>
      %get3A_312 = arith.constant 64 : index
      %get3A_313 = tpu.vector_load %arg8[%get3A_312] {strides = array<i32>} : memref<128xf32, #tpu.memory_space<vmem>>, vector<16xf32>,
      %get3A_314 = vector.shape_cast %get3A_313 : vector<16xf32> to vector<16xf32>
      %mul3A_315 = arith.mulf %get3A_311, %get3A_314 : vector<16xf32>
      %swap3A_316 = arith.constant 2 : i32
      %swap3A_317 = arith.index_cast %swap3A_316 : i32 to index
      %swap3A_318 = arith.constant 64 : index
      %swap3A_319 = tpu.vector_load %arg7[%swap3A_317, %swap3A_318] {strides = array<i32>} : memref<8x128xf32, #tpu.memory_space<vmem>>, vector<1x16xf32>,
      %swap3A_320 = vector.shape_cast %swap3A_319 : vector<1x16xf32> to vector<16xf32>
      %swap3A_321 = vector.shape_cast %mul3A_315 : vector<16xf32> to vector<1x16xf32>
      tpu.vector_store %arg7[%swap3A_317, %swap3A_318], %swap3A_321 {strides = array<i32>} : memref<8x128xf32, #tpu.memory_space<vmem>>, vector<1x16xf32>,
      %get3A_322 = arith.constant 2 : i32
      %get3A_323 = arith.index_cast %get3A_322 : i32 to index
      %get3A_324 = arith.constant 80 : index
      %get3A_325 = tpu.vector_load %arg7[%get3A_323, %get3A_324] {strides = array<i32>} : memref<8x128xf32, #tpu.memory_space<vmem>>, vector<1x16xf32>,
      %get3A_326 = vector.shape_cast %get3A_325 : vector<1x16xf32> to vector<16xf32>
      %get3A_327 = arith.constant 80 : index
      %get3A_328 = tpu.vector_load %arg8[%get3A_327] {strides = array<i32>} : memref<128xf32, #tpu.memory_space<vmem>>, vector<16xf32>,
      %get3A_329 = vector.shape_cast %get3A_328 : vector<16xf32> to vector<16xf32>
      %mul3A_330 = arith.mulf %get3A_326, %get3A_329 : vector<16xf32>
      %swap3A_331 = arith.constant 2 : i32
      %swap3A_332 = arith.index_cast %swap3A_331 : i32 to index
      %swap3A_333 = arith.constant 80 : index
      %swap3A_334 = tpu.vector_load %arg7[%swap3A_332, %swap3A_333] {strides = array<i32>} : memref<8x128xf32, #tpu.memory_space<vmem>>, vector<1x16xf32>,
      %swap3A_335 = vector.shape_cast %swap3A_334 : vector<1x16xf32> to vector<16xf32>
      %swap3A_336 = vector.shape_cast %mul3A_330 : vector<16xf32> to vector<1x16xf32>
      tpu.vector_store %arg7[%swap3A_332, %swap3A_333], %swap3A_336 {strides = array<i32>} : memref<8x128xf32, #tpu.memory_space<vmem>>, vector<1x16xf32>,
      %get3A_337 = arith.constant 2 : i32
      %get3A_338 = arith.index_cast %get3A_337 : i32 to index
      %get3A_339 = arith.constant 96 : index
      %get3A_340 = tpu.vector_load %arg7[%get3A_338, %get3A_339] {strides = array<i32>} : memref<8x128xf32, #tpu.memory_space<vmem>>, vector<1x16xf32>,
      %get3A_341 = vector.shape_cast %get3A_340 : vector<1x16xf32> to vector<16xf32>
      %get3A_342 = arith.constant 96 : index
      %get3A_343 = tpu.vector_load %arg8[%get3A_342] {strides = array<i32>} : memref<128xf32, #tpu.memory_space<vmem>>, vector<16xf32>,
      %get3A_344 = vector.shape_cast %get3A_343 : vector<16xf32> to vector<16xf32>
      %mul3A_345 = arith.mulf %get3A_341, %get3A_344 : vector<16xf32>
      %swap3A_346 = arith.constant 2 : i32
      %swap3A_347 = arith.index_cast %swap3A_346 : i32 to index
      %swap3A_348 = arith.constant 96 : index
      %swap3A_349 = tpu.vector_load %arg7[%swap3A_347, %swap3A_348] {strides = array<i32>} : memref<8x128xf32, #tpu.memory_space<vmem>>, vector<1x16xf32>,
      %swap3A_350 = vector.shape_cast %swap3A_349 : vector<1x16xf32> to vector<16xf32>
      %swap3A_351 = vector.shape_cast %mul3A_345 : vector<16xf32> to vector<1x16xf32>
      tpu.vector_store %arg7[%swap3A_347, %swap3A_348], %swap3A_351 {strides = array<i32>} : memref<8x128xf32, #tpu.memory_space<vmem>>, vector<1x16xf32>,
      %get3A_352 = arith.constant 2 : i32
      %get3A_353 = arith.index_cast %get3A_352 : i32 to index
      %get3A_354 = arith.constant 112 : index
      %get3A_355 = tpu.vector_load %arg7[%get3A_353, %get3A_354] {strides = array<i32>} : memref<8x128xf32, #tpu.memory_space<vmem>>, vector<1x16xf32>,
      %get3A_356 = vector.shape_cast %get3A_355 : vector<1x16xf32> to vector<16xf32>
      %get3A_357 = arith.constant 112 : index
      %get3A_358 = tpu.vector_load %arg8[%get3A_357] {strides = array<i32>} : memref<128xf32, #tpu.memory_space<vmem>>, vector<16xf32>,
      %get3A_359 = vector.shape_cast %get3A_358 : vector<16xf32> to vector<16xf32>
      %mul3A_360 = arith.mulf %get3A_356, %get3A_359 : vector<16xf32>
      %swap3A_361 = arith.constant 2 : i32
      %swap3A_362 = arith.index_cast %swap3A_361 : i32 to index
      %swap3A_363 = arith.constant 112 : index
      %swap3A_364 = tpu.vector_load %arg7[%swap3A_362, %swap3A_363] {strides = array<i32>} : memref<8x128xf32, #tpu.memory_space<vmem>>, vector<1x16xf32>,
      %swap3A_365 = vector.shape_cast %swap3A_364 : vector<1x16xf32> to vector<16xf32>
      %swap3A_366 = vector.shape_cast %mul3A_360 : vector<16xf32> to vector<1x16xf32>
      tpu.vector_store %arg7[%swap3A_362, %swap3A_363], %swap3A_366 {strides = array<i32>} : memref<8x128xf32, #tpu.memory_space<vmem>>, vector<1x16xf32>,
      %get3A_367 = arith.constant 3 : i32
      %get3A_368 = arith.index_cast %get3A_367 : i32 to index
      %get3A_369 = arith.constant 0 : index
      %get3A_370 = tpu.vector_load %arg7[%get3A_368, %get3A_369] {strides = array<i32>} : memref<8x128xf32, #tpu.memory_space<vmem>>, vector<1x16xf32>,
      %get3A_371 = vector.shape_cast %get3A_370 : vector<1x16xf32> to vector<16xf32>
      %get3A_372 = arith.constant 0 : index
      %get3A_373 = tpu.vector_load %arg8[%get3A_372] {strides = array<i32>} : memref<128xf32, #tpu.memory_space<vmem>>, vector<16xf32>,
      %get3A_374 = vector.shape_cast %get3A_373 : vector<16xf32> to vector<16xf32>
      %mul3A_375 = arith.mulf %get3A_371, %get3A_374 : vector<16xf32>
      %swap3A_376 = arith.constant 3 : i32
      %swap3A_377 = arith.index_cast %swap3A_376 : i32 to index
      %swap3A_378 = arith.constant 0 : index
      %swap3A_379 = tpu.vector_load %arg7[%swap3A_377, %swap3A_378] {strides = array<i32>} : memref<8x128xf32, #tpu.memory_space<vmem>>, vector<1x16xf32>,
      %swap3A_380 = vector.shape_cast %swap3A_379 : vector<1x16xf32> to vector<16xf32>
      %swap3A_381 = vector.shape_cast %mul3A_375 : vector<16xf32> to vector<1x16xf32>
      tpu.vector_store %arg7[%swap3A_377, %swap3A_378], %swap3A_381 {strides = array<i32>} : memref<8x128xf32, #tpu.memory_space<vmem>>, vector<1x16xf32>,
      %get3A_382 = arith.constant 3 : i32
      %get3A_383 = arith.index_cast %get3A_382 : i32 to index
      %get3A_384 = arith.constant 16 : index
      %get3A_385 = tpu.vector_load %arg7[%get3A_383, %get3A_384] {strides = array<i32>} : memref<8x128xf32, #tpu.memory_space<vmem>>, vector<1x16xf32>,
      %get3A_386 = vector.shape_cast %get3A_385 : vector<1x16xf32> to vector<16xf32>
      %get3A_387 = arith.constant 16 : index
      %get3A_388 = tpu.vector_load %arg8[%get3A_387] {strides = array<i32>} : memref<128xf32, #tpu.memory_space<vmem>>, vector<16xf32>,
      %get3A_389 = vector.shape_cast %get3A_388 : vector<16xf32> to vector<16xf32>
      %mul3A_390 = arith.mulf %get3A_386, %get3A_389 : vector<16xf32>
      %swap3A_391 = arith.constant 3 : i32
      %swap3A_392 = arith.index_cast %swap3A_391 : i32 to index
      %swap3A_393 = arith.constant 16 : index
      %swap3A_394 = tpu.vector_load %arg7[%swap3A_392, %swap3A_393] {strides = array<i32>} : memref<8x128xf32, #tpu.memory_space<vmem>>, vector<1x16xf32>,
      %swap3A_395 = vector.shape_cast %swap3A_394 : vector<1x16xf32> to vector<16xf32>
      %swap3A_396 = vector.shape_cast %mul3A_390 : vector<16xf32> to vector<1x16xf32>
      tpu.vector_store %arg7[%swap3A_392, %swap3A_393], %swap3A_396 {strides = array<i32>} : memref<8x128xf32, #tpu.memory_space<vmem>>, vector<1x16xf32>,
      %get3A_397 = arith.constant 3 : i32
      %get3A_398 = arith.index_cast %get3A_397 : i32 to index
      %get3A_399 = arith.constant 32 : index
      %get3A_400 = tpu.vector_load %arg7[%get3A_398, %get3A_399] {strides = array<i32>} : memref<8x128xf32, #tpu.memory_space<vmem>>, vector<1x16xf32>,
      %get3A_401 = vector.shape_cast %get3A_400 : vector<1x16xf32> to vector<16xf32>
      %get3A_402 = arith.constant 32 : index
      %get3A_403 = tpu.vector_load %arg8[%get3A_402] {strides = array<i32>} : memref<128xf32, #tpu.memory_space<vmem>>, vector<16xf32>,
      %get3A_404 = vector.shape_cast %get3A_403 : vector<16xf32> to vector<16xf32>
      %mul3A_405 = arith.mulf %get3A_401, %get3A_404 : vector<16xf32>
      %swap3A_406 = arith.constant 3 : i32
      %swap3A_407 = arith.index_cast %swap3A_406 : i32 to index
      %swap3A_408 = arith.constant 32 : index
      %swap3A_409 = tpu.vector_load %arg7[%swap3A_407, %swap3A_408] {strides = array<i32>} : memref<8x128xf32, #tpu.memory_space<vmem>>, vector<1x16xf32>,
      %swap3A_410 = vector.shape_cast %swap3A_409 : vector<1x16xf32> to vector<16xf32>
      %swap3A_411 = vector.shape_cast %mul3A_405 : vector<16xf32> to vector<1x16xf32>
      tpu.vector_store %arg7[%swap3A_407, %swap3A_408], %swap3A_411 {strides = array<i32>} : memref<8x128xf32, #tpu.memory_space<vmem>>, vector<1x16xf32>,
      %get3A_412 = arith.constant 3 : i32
      %get3A_413 = arith.index_cast %get3A_412 : i32 to index
      %get3A_414 = arith.constant 48 : index
      %get3A_415 = tpu.vector_load %arg7[%get3A_413, %get3A_414] {strides = array<i32>} : memref<8x128xf32, #tpu.memory_space<vmem>>, vector<1x16xf32>,
      %get3A_416 = vector.shape_cast %get3A_415 : vector<1x16xf32> to vector<16xf32>
      %get3A_417 = arith.constant 48 : index
      %get3A_418 = tpu.vector_load %arg8[%get3A_417] {strides = array<i32>} : memref<128xf32, #tpu.memory_space<vmem>>, vector<16xf32>,
      %get3A_419 = vector.shape_cast %get3A_418 : vector<16xf32> to vector<16xf32>
      %mul3A_420 = arith.mulf %get3A_416, %get3A_419 : vector<16xf32>
      %swap3A_421 = arith.constant 3 : i32
      %swap3A_422 = arith.index_cast %swap3A_421 : i32 to index
      %swap3A_423 = arith.constant 48 : index
      %swap3A_424 = tpu.vector_load %arg7[%swap3A_422, %swap3A_423] {strides = array<i32>} : memref<8x128xf32, #tpu.memory_space<vmem>>, vector<1x16xf32>,
      %swap3A_425 = vector.shape_cast %swap3A_424 : vector<1x16xf32> to vector<16xf32>
      %swap3A_426 = vector.shape_cast %mul3A_420 : vector<16xf32> to vector<1x16xf32>
      tpu.vector_store %arg7[%swap3A_422, %swap3A_423], %swap3A_426 {strides = array<i32>} : memref<8x128xf32, #tpu.memory_space<vmem>>, vector<1x16xf32>,
      %get3A_427 = arith.constant 3 : i32
      %get3A_428 = arith.index_cast %get3A_427 : i32 to index
      %get3A_429 = arith.constant 64 : index
      %get3A_430 = tpu.vector_load %arg7[%get3A_428, %get3A_429] {strides = array<i32>} : memref<8x128xf32, #tpu.memory_space<vmem>>, vector<1x16xf32>,
      %get3A_431 = vector.shape_cast %get3A_430 : vector<1x16xf32> to vector<16xf32>
      %get3A_432 = arith.constant 64 : index
      %get3A_433 = tpu.vector_load %arg8[%get3A_432] {strides = array<i32>} : memref<128xf32, #tpu.memory_space<vmem>>, vector<16xf32>,
      %get3A_434 = vector.shape_cast %get3A_433 : vector<16xf32> to vector<16xf32>
      %mul3A_435 = arith.mulf %get3A_431, %get3A_434 : vector<16xf32>
      %swap3A_436 = arith.constant 3 : i32
      %swap3A_437 = arith.index_cast %swap3A_436 : i32 to index
      %swap3A_438 = arith.constant 64 : index
      %swap3A_439 = tpu.vector_load %arg7[%swap3A_437, %swap3A_438] {strides = array<i32>} : memref<8x128xf32, #tpu.memory_space<vmem>>, vector<1x16xf32>,
      %swap3A_440 = vector.shape_cast %swap3A_439 : vector<1x16xf32> to vector<16xf32>
      %swap3A_441 = vector.shape_cast %mul3A_435 : vector<16xf32> to vector<1x16xf32>
      tpu.vector_store %arg7[%swap3A_437, %swap3A_438], %swap3A_441 {strides = array<i32>} : memref<8x128xf32, #tpu.memory_space<vmem>>, vector<1x16xf32>,
      %get3A_442 = arith.constant 3 : i32
      %get3A_443 = arith.index_cast %get3A_442 : i32 to index
      %get3A_444 = arith.constant 80 : index
      %get3A_445 = tpu.vector_load %arg7[%get3A_443, %get3A_444] {strides = array<i32>} : memref<8x128xf32, #tpu.memory_space<vmem>>, vector<1x16xf32>,
      %get3A_446 = vector.shape_cast %get3A_445 : vector<1x16xf32> to vector<16xf32>
      %get3A_447 = arith.constant 80 : index
      %get3A_448 = tpu.vector_load %arg8[%get3A_447] {strides = array<i32>} : memref<128xf32, #tpu.memory_space<vmem>>, vector<16xf32>,
      %get3A_449 = vector.shape_cast %get3A_448 : vector<16xf32> to vector<16xf32>
      %mul3A_450 = arith.mulf %get3A_446, %get3A_449 : vector<16xf32>
      %swap3A_451 = arith.constant 3 : i32
      %swap3A_452 = arith.index_cast %swap3A_451 : i32 to index
      %swap3A_453 = arith.constant 80 : index
      %swap3A_454 = tpu.vector_load %arg7[%swap3A_452, %swap3A_453] {strides = array<i32>} : memref<8x128xf32, #tpu.memory_space<vmem>>, vector<1x16xf32>,
      %swap3A_455 = vector.shape_cast %swap3A_454 : vector<1x16xf32> to vector<16xf32>
      %swap3A_456 = vector.shape_cast %mul3A_450 : vector<16xf32> to vector<1x16xf32>
      tpu.vector_store %arg7[%swap3A_452, %swap3A_453], %swap3A_456 {strides = array<i32>} : memref<8x128xf32, #tpu.memory_space<vmem>>, vector<1x16xf32>,
      %get3A_457 = arith.constant 3 : i32
      %get3A_458 = arith.index_cast %get3A_457 : i32 to index
      %get3A_459 = arith.constant 96 : index
      %get3A_460 = tpu.vector_load %arg7[%get3A_458, %get3A_459] {strides = array<i32>} : memref<8x128xf32, #tpu.memory_space<vmem>>, vector<1x16xf32>,
      %get3A_461 = vector.shape_cast %get3A_460 : vector<1x16xf32> to vector<16xf32>
      %get3A_462 = arith.constant 96 : index
      %get3A_463 = tpu.vector_load %arg8[%get3A_462] {strides = array<i32>} : memref<128xf32, #tpu.memory_space<vmem>>, vector<16xf32>,
      %get3A_464 = vector.shape_cast %get3A_463 : vector<16xf32> to vector<16xf32>
      %mul3A_465 = arith.mulf %get3A_461, %get3A_464 : vector<16xf32>
      %swap3A_466 = arith.constant 3 : i32
      %swap3A_467 = arith.index_cast %swap3A_466 : i32 to index
      %swap3A_468 = arith.constant 96 : index
      %swap3A_469 = tpu.vector_load %arg7[%swap3A_467, %swap3A_468] {strides = array<i32>} : memref<8x128xf32, #tpu.memory_space<vmem>>, vector<1x16xf32>,
      %swap3A_470 = vector.shape_cast %swap3A_469 : vector<1x16xf32> to vector<16xf32>
      %swap3A_471 = vector.shape_cast %mul3A_465 : vector<16xf32> to vector<1x16xf32>
      tpu.vector_store %arg7[%swap3A_467, %swap3A_468], %swap3A_471 {strides = array<i32>} : memref<8x128xf32, #tpu.memory_space<vmem>>, vector<1x16xf32>,
      %get3A_472 = arith.constant 3 : i32
      %get3A_473 = arith.index_cast %get3A_472 : i32 to index
      %get3A_474 = arith.constant 112 : index
      %get3A_475 = tpu.vector_load %arg7[%get3A_473, %get3A_474] {strides = array<i32>} : memref<8x128xf32, #tpu.memory_space<vmem>>, vector<1x16xf32>,
      %get3A_476 = vector.shape_cast %get3A_475 : vector<1x16xf32> to vector<16xf32>
      %get3A_477 = arith.constant 112 : index
      %get3A_478 = tpu.vector_load %arg8[%get3A_477] {strides = array<i32>} : memref<128xf32, #tpu.memory_space<vmem>>, vector<16xf32>,
      %get3A_479 = vector.shape_cast %get3A_478 : vector<16xf32> to vector<16xf32>
      %mul3A_480 = arith.mulf %get3A_476, %get3A_479 : vector<16xf32>
      %swap3A_481 = arith.constant 3 : i32
      %swap3A_482 = arith.index_cast %swap3A_481 : i32 to index
      %swap3A_483 = arith.constant 112 : index
      %swap3A_484 = tpu.vector_load %arg7[%swap3A_482, %swap3A_483] {strides = array<i32>} : memref<8x128xf32, #tpu.memory_space<vmem>>, vector<1x16xf32>,
      %swap3A_485 = vector.shape_cast %swap3A_484 : vector<1x16xf32> to vector<16xf32>
      %swap3A_486 = vector.shape_cast %mul3A_480 : vector<16xf32> to vector<1x16xf32>
      tpu.vector_store %arg7[%swap3A_482, %swap3A_483], %swap3A_486 {strides = array<i32>} : memref<8x128xf32, #tpu.memory_space<vmem>>, vector<1x16xf32>,
      %get3A_487 = arith.constant 4 : i32
      %get3A_488 = arith.index_cast %get3A_487 : i32 to index
      %get3A_489 = arith.constant 0 : index
      %get3A_490 = tpu.vector_load %arg7[%get3A_488, %get3A_489] {strides = array<i32>} : memref<8x128xf32, #tpu.memory_space<vmem>>, vector<1x16xf32>,
      %get3A_491 = vector.shape_cast %get3A_490 : vector<1x16xf32> to vector<16xf32>
      %get3A_492 = arith.constant 0 : index
      %get3A_493 = tpu.vector_load %arg8[%get3A_492] {strides = array<i32>} : memref<128xf32, #tpu.memory_space<vmem>>, vector<16xf32>,
      %get3A_494 = vector.shape_cast %get3A_493 : vector<16xf32> to vector<16xf32>
      %mul3A_495 = arith.mulf %get3A_491, %get3A_494 : vector<16xf32>
      %swap3A_496 = arith.constant 4 : i32
      %swap3A_497 = arith.index_cast %swap3A_496 : i32 to index
      %swap3A_498 = arith.constant 0 : index
      %swap3A_499 = tpu.vector_load %arg7[%swap3A_497, %swap3A_498] {strides = array<i32>} : memref<8x128xf32, #tpu.memory_space<vmem>>, vector<1x16xf32>,
      %swap3A_500 = vector.shape_cast %swap3A_499 : vector<1x16xf32> to vector<16xf32>
      %swap3A_501 = vector.shape_cast %mul3A_495 : vector<16xf32> to vector<1x16xf32>
      tpu.vector_store %arg7[%swap3A_497, %swap3A_498], %swap3A_501 {strides = array<i32>} : memref<8x128xf32, #tpu.memory_space<vmem>>, vector<1x16xf32>,
      %get3A_502 = arith.constant 4 : i32
      %get3A_503 = arith.index_cast %get3A_502 : i32 to index
      %get3A_504 = arith.constant 16 : index
      %get3A_505 = tpu.vector_load %arg7[%get3A_503, %get3A_504] {strides = array<i32>} : memref<8x128xf32, #tpu.memory_space<vmem>>, vector<1x16xf32>,
      %get3A_506 = vector.shape_cast %get3A_505 : vector<1x16xf32> to vector<16xf32>
      %get3A_507 = arith.constant 16 : index
      %get3A_508 = tpu.vector_load %arg8[%get3A_507] {strides = array<i32>} : memref<128xf32, #tpu.memory_space<vmem>>, vector<16xf32>,
      %get3A_509 = vector.shape_cast %get3A_508 : vector<16xf32> to vector<16xf32>
      %mul3A_510 = arith.mulf %get3A_506, %get3A_509 : vector<16xf32>
      %swap3A_511 = arith.constant 4 : i32
      %swap3A_512 = arith.index_cast %swap3A_511 : i32 to index
      %swap3A_513 = arith.constant 16 : index
      %swap3A_514 = tpu.vector_load %arg7[%swap3A_512, %swap3A_513] {strides = array<i32>} : memref<8x128xf32, #tpu.memory_space<vmem>>, vector<1x16xf32>,
      %swap3A_515 = vector.shape_cast %swap3A_514 : vector<1x16xf32> to vector<16xf32>
      %swap3A_516 = vector.shape_cast %mul3A_510 : vector<16xf32> to vector<1x16xf32>
      tpu.vector_store %arg7[%swap3A_512, %swap3A_513], %swap3A_516 {strides = array<i32>} : memref<8x128xf32, #tpu.memory_space<vmem>>, vector<1x16xf32>,
      %get3A_517 = arith.constant 4 : i32
      %get3A_518 = arith.index_cast %get3A_517 : i32 to index
      %get3A_519 = arith.constant 32 : index
      %get3A_520 = tpu.vector_load %arg7[%get3A_518, %get3A_519] {strides = array<i32>} : memref<8x128xf32, #tpu.memory_space<vmem>>, vector<1x16xf32>,
      %get3A_521 = vector.shape_cast %get3A_520 : vector<1x16xf32> to vector<16xf32>
      %get3A_522 = arith.constant 32 : index
      %get3A_523 = tpu.vector_load %arg8[%get3A_522] {strides = array<i32>} : memref<128xf32, #tpu.memory_space<vmem>>, vector<16xf32>,
      %get3A_524 = vector.shape_cast %get3A_523 : vector<16xf32> to vector<16xf32>
      %mul3A_525 = arith.mulf %get3A_521, %get3A_524 : vector<16xf32>
      %swap3A_526 = arith.constant 4 : i32
      %swap3A_527 = arith.index_cast %swap3A_526 : i32 to index
      %swap3A_528 = arith.constant 32 : index
      %swap3A_529 = tpu.vector_load %arg7[%swap3A_527, %swap3A_528] {strides = array<i32>} : memref<8x128xf32, #tpu.memory_space<vmem>>, vector<1x16xf32>,
      %swap3A_530 = vector.shape_cast %swap3A_529 : vector<1x16xf32> to vector<16xf32>
      %swap3A_531 = vector.shape_cast %mul3A_525 : vector<16xf32> to vector<1x16xf32>
      tpu.vector_store %arg7[%swap3A_527, %swap3A_528], %swap3A_531 {strides = array<i32>} : memref<8x128xf32, #tpu.memory_space<vmem>>, vector<1x16xf32>,
      %get3A_532 = arith.constant 4 : i32
      %get3A_533 = arith.index_cast %get3A_532 : i32 to index
      %get3A_534 = arith.constant 48 : index
      %get3A_535 = tpu.vector_load %arg7[%get3A_533, %get3A_534] {strides = array<i32>} : memref<8x128xf32, #tpu.memory_space<vmem>>, vector<1x16xf32>,
      %get3A_536 = vector.shape_cast %get3A_535 : vector<1x16xf32> to vector<16xf32>
      %get3A_537 = arith.constant 48 : index
      %get3A_538 = tpu.vector_load %arg8[%get3A_537] {strides = array<i32>} : memref<128xf32, #tpu.memory_space<vmem>>, vector<16xf32>,
      %get3A_539 = vector.shape_cast %get3A_538 : vector<16xf32> to vector<16xf32>
      %mul3A_540 = arith.mulf %get3A_536, %get3A_539 : vector<16xf32>
      %swap3A_541 = arith.constant 4 : i32
      %swap3A_542 = arith.index_cast %swap3A_541 : i32 to index
      %swap3A_543 = arith.constant 48 : index
      %swap3A_544 = tpu.vector_load %arg7[%swap3A_542, %swap3A_543] {strides = array<i32>} : memref<8x128xf32, #tpu.memory_space<vmem>>, vector<1x16xf32>,
      %swap3A_545 = vector.shape_cast %swap3A_544 : vector<1x16xf32> to vector<16xf32>
      %swap3A_546 = vector.shape_cast %mul3A_540 : vector<16xf32> to vector<1x16xf32>
      tpu.vector_store %arg7[%swap3A_542, %swap3A_543], %swap3A_546 {strides = array<i32>} : memref<8x128xf32, #tpu.memory_space<vmem>>, vector<1x16xf32>,
      %get3A_547 = arith.constant 4 : i32
      %get3A_548 = arith.index_cast %get3A_547 : i32 to index
      %get3A_549 = arith.constant 64 : index
      %get3A_550 = tpu.vector_load %arg7[%get3A_548, %get3A_549] {strides = array<i32>} : memref<8x128xf32, #tpu.memory_space<vmem>>, vector<1x16xf32>,
      %get3A_551 = vector.shape_cast %get3A_550 : vector<1x16xf32> to vector<16xf32>
      %get3A_552 = arith.constant 64 : index
      %get3A_553 = tpu.vector_load %arg8[%get3A_552] {strides = array<i32>} : memref<128xf32, #tpu.memory_space<vmem>>, vector<16xf32>,
      %get3A_554 = vector.shape_cast %get3A_553 : vector<16xf32> to vector<16xf32>
      %mul3A_555 = arith.mulf %get3A_551, %get3A_554 : vector<16xf32>
      %swap3A_556 = arith.constant 4 : i32
      %swap3A_557 = arith.index_cast %swap3A_556 : i32 to index
      %swap3A_558 = arith.constant 64 : index
      %swap3A_559 = tpu.vector_load %arg7[%swap3A_557, %swap3A_558] {strides = array<i32>} : memref<8x128xf32, #tpu.memory_space<vmem>>, vector<1x16xf32>,
      %swap3A_560 = vector.shape_cast %swap3A_559 : vector<1x16xf32> to vector<16xf32>
      %swap3A_561 = vector.shape_cast %mul3A_555 : vector<16xf32> to vector<1x16xf32>
      tpu.vector_store %arg7[%swap3A_557, %swap3A_558], %swap3A_561 {strides = array<i32>} : memref<8x128xf32, #tpu.memory_space<vmem>>, vector<1x16xf32>,
      %get3A_562 = arith.constant 4 : i32
      %get3A_563 = arith.index_cast %get3A_562 : i32 to index
      %get3A_564 = arith.constant 80 : index
      %get3A_565 = tpu.vector_load %arg7[%get3A_563, %get3A_564] {strides = array<i32>} : memref<8x128xf32, #tpu.memory_space<vmem>>, vector<1x16xf32>,
      %get3A_566 = vector.shape_cast %get3A_565 : vector<1x16xf32> to vector<16xf32>
      %get3A_567 = arith.constant 80 : index
      %get3A_568 = tpu.vector_load %arg8[%get3A_567] {strides = array<i32>} : memref<128xf32, #tpu.memory_space<vmem>>, vector<16xf32>,
      %get3A_569 = vector.shape_cast %get3A_568 : vector<16xf32> to vector<16xf32>
      %mul3A_570 = arith.mulf %get3A_566, %get3A_569 : vector<16xf32>
      %swap3A_571 = arith.constant 4 : i32
      %swap3A_572 = arith.index_cast %swap3A_571 : i32 to index
      %swap3A_573 = arith.constant 80 : index
      %swap3A_574 = tpu.vector_load %arg7[%swap3A_572, %swap3A_573] {strides = array<i32>} : memref<8x128xf32, #tpu.memory_space<vmem>>, vector<1x16xf32>,
      %swap3A_575 = vector.shape_cast %swap3A_574 : vector<1x16xf32> to vector<16xf32>
      %swap3A_576 = vector.shape_cast %mul3A_570 : vector<16xf32> to vector<1x16xf32>
      tpu.vector_store %arg7[%swap3A_572, %swap3A_573], %swap3A_576 {strides = array<i32>} : memref<8x128xf32, #tpu.memory_space<vmem>>, vector<1x16xf32>,
      %get3A_577 = arith.constant 4 : i32
      %get3A_578 = arith.index_cast %get3A_577 : i32 to index
      %get3A_579 = arith.constant 96 : index
      %get3A_580 = tpu.vector_load %arg7[%get3A_578, %get3A_579] {strides = array<i32>} : memref<8x128xf32, #tpu.memory_space<vmem>>, vector<1x16xf32>,
      %get3A_581 = vector.shape_cast %get3A_580 : vector<1x16xf32> to vector<16xf32>
      %get3A_582 = arith.constant 96 : index
      %get3A_583 = tpu.vector_load %arg8[%get3A_582] {strides = array<i32>} : memref<128xf32, #tpu.memory_space<vmem>>, vector<16xf32>,
      %get3A_584 = vector.shape_cast %get3A_583 : vector<16xf32> to vector<16xf32>
      %mul3A_585 = arith.mulf %get3A_581, %get3A_584 : vector<16xf32>
      %swap3A_586 = arith.constant 4 : i32
      %swap3A_587 = arith.index_cast %swap3A_586 : i32 to index
      %swap3A_588 = arith.constant 96 : index
      %swap3A_589 = tpu.vector_load %arg7[%swap3A_587, %swap3A_588] {strides = array<i32>} : memref<8x128xf32, #tpu.memory_space<vmem>>, vector<1x16xf32>,
      %swap3A_590 = vector.shape_cast %swap3A_589 : vector<1x16xf32> to vector<16xf32>
      %swap3A_591 = vector.shape_cast %mul3A_585 : vector<16xf32> to vector<1x16xf32>
      tpu.vector_store %arg7[%swap3A_587, %swap3A_588], %swap3A_591 {strides = array<i32>} : memref<8x128xf32, #tpu.memory_space<vmem>>, vector<1x16xf32>,
      %get3A_592 = arith.constant 4 : i32
      %get3A_593 = arith.index_cast %get3A_592 : i32 to index
      %get3A_594 = arith.constant 112 : index
      %get3A_595 = tpu.vector_load %arg7[%get3A_593, %get3A_594] {strides = array<i32>} : memref<8x128xf32, #tpu.memory_space<vmem>>, vector<1x16xf32>,
      %get3A_596 = vector.shape_cast %get3A_595 : vector<1x16xf32> to vector<16xf32>
      %get3A_597 = arith.constant 112 : index
      %get3A_598 = tpu.vector_load %arg8[%get3A_597] {strides = array<i32>} : memref<128xf32, #tpu.memory_space<vmem>>, vector<16xf32>,
      %get3A_599 = vector.shape_cast %get3A_598 : vector<16xf32> to vector<16xf32>
      %mul3A_600 = arith.mulf %get3A_596, %get3A_599 : vector<16xf32>
      %swap3A_601 = arith.constant 4 : i32
      %swap3A_602 = arith.index_cast %swap3A_601 : i32 to index
      %swap3A_603 = arith.constant 112 : index
      %swap3A_604 = tpu.vector_load %arg7[%swap3A_602, %swap3A_603] {strides = array<i32>} : memref<8x128xf32, #tpu.memory_space<vmem>>, vector<1x16xf32>,
      %swap3A_605 = vector.shape_cast %swap3A_604 : vector<1x16xf32> to vector<16xf32>
      %swap3A_606 = vector.shape_cast %mul3A_600 : vector<16xf32> to vector<1x16xf32>
      tpu.vector_store %arg7[%swap3A_602, %swap3A_603], %swap3A_606 {strides = array<i32>} : memref<8x128xf32, #tpu.memory_space<vmem>>, vector<1x16xf32>,
      %get3A_607 = arith.constant 5 : i32
      %get3A_608 = arith.index_cast %get3A_607 : i32 to index
      %get3A_609 = arith.constant 0 : index
      %get3A_610 = tpu.vector_load %arg7[%get3A_608, %get3A_609] {strides = array<i32>} : memref<8x128xf32, #tpu.memory_space<vmem>>, vector<1x16xf32>,
      %get3A_611 = vector.shape_cast %get3A_610 : vector<1x16xf32> to vector<16xf32>
      %get3A_612 = arith.constant 0 : index
      %get3A_613 = tpu.vector_load %arg8[%get3A_612] {strides = array<i32>} : memref<128xf32, #tpu.memory_space<vmem>>, vector<16xf32>,
      %get3A_614 = vector.shape_cast %get3A_613 : vector<16xf32> to vector<16xf32>
      %mul3A_615 = arith.mulf %get3A_611, %get3A_614 : vector<16xf32>
      %swap3A_616 = arith.constant 5 : i32
      %swap3A_617 = arith.index_cast %swap3A_616 : i32 to index
      %swap3A_618 = arith.constant 0 : index
      %swap3A_619 = tpu.vector_load %arg7[%swap3A_617, %swap3A_618] {strides = array<i32>} : memref<8x128xf32, #tpu.memory_space<vmem>>, vector<1x16xf32>,
      %swap3A_620 = vector.shape_cast %swap3A_619 : vector<1x16xf32> to vector<16xf32>
      %swap3A_621 = vector.shape_cast %mul3A_615 : vector<16xf32> to vector<1x16xf32>
      tpu.vector_store %arg7[%swap3A_617, %swap3A_618], %swap3A_621 {strides = array<i32>} : memref<8x128xf32, #tpu.memory_space<vmem>>, vector<1x16xf32>,
      %get3A_622 = arith.constant 5 : i32
      %get3A_623 = arith.index_cast %get3A_622 : i32 to index
      %get3A_624 = arith.constant 16 : index
      %get3A_625 = tpu.vector_load %arg7[%get3A_623, %get3A_624] {strides = array<i32>} : memref<8x128xf32, #tpu.memory_space<vmem>>, vector<1x16xf32>,
      %get3A_626 = vector.shape_cast %get3A_625 : vector<1x16xf32> to vector<16xf32>
      %get3A_627 = arith.constant 16 : index
      %get3A_628 = tpu.vector_load %arg8[%get3A_627] {strides = array<i32>} : memref<128xf32, #tpu.memory_space<vmem>>, vector<16xf32>,
      %get3A_629 = vector.shape_cast %get3A_628 : vector<16xf32> to vector<16xf32>
      %mul3A_630 = arith.mulf %get3A_626, %get3A_629 : vector<16xf32>
      %swap3A_631 = arith.constant 5 : i32
      %swap3A_632 = arith.index_cast %swap3A_631 : i32 to index
      %swap3A_633 = arith.constant 16 : index
      %swap3A_634 = tpu.vector_load %arg7[%swap3A_632, %swap3A_633] {strides = array<i32>} : memref<8x128xf32, #tpu.memory_space<vmem>>, vector<1x16xf32>,
      %swap3A_635 = vector.shape_cast %swap3A_634 : vector<1x16xf32> to vector<16xf32>
      %swap3A_636 = vector.shape_cast %mul3A_630 : vector<16xf32> to vector<1x16xf32>
      tpu.vector_store %arg7[%swap3A_632, %swap3A_633], %swap3A_636 {strides = array<i32>} : memref<8x128xf32, #tpu.memory_space<vmem>>, vector<1x16xf32>,
      %get3A_637 = arith.constant 5 : i32
      %get3A_638 = arith.index_cast %get3A_637 : i32 to index
      %get3A_639 = arith.constant 32 : index
      %get3A_640 = tpu.vector_load %arg7[%get3A_638, %get3A_639] {strides = array<i32>} : memref<8x128xf32, #tpu.memory_space<vmem>>, vector<1x16xf32>,
      %get3A_641 = vector.shape_cast %get3A_640 : vector<1x16xf32> to vector<16xf32>
      %get3A_642 = arith.constant 32 : index
      %get3A_643 = tpu.vector_load %arg8[%get3A_642] {strides = array<i32>} : memref<128xf32, #tpu.memory_space<vmem>>, vector<16xf32>,
      %get3A_644 = vector.shape_cast %get3A_643 : vector<16xf32> to vector<16xf32>
      %mul3A_645 = arith.mulf %get3A_641, %get3A_644 : vector<16xf32>
      %swap3A_646 = arith.constant 5 : i32
      %swap3A_647 = arith.index_cast %swap3A_646 : i32 to index
      %swap3A_648 = arith.constant 32 : index
      %swap3A_649 = tpu.vector_load %arg7[%swap3A_647, %swap3A_648] {strides = array<i32>} : memref<8x128xf32, #tpu.memory_space<vmem>>, vector<1x16xf32>,
      %swap3A_650 = vector.shape_cast %swap3A_649 : vector<1x16xf32> to vector<16xf32>
      %swap3A_651 = vector.shape_cast %mul3A_645 : vector<16xf32> to vector<1x16xf32>
      tpu.vector_store %arg7[%swap3A_647, %swap3A_648], %swap3A_651 {strides = array<i32>} : memref<8x128xf32, #tpu.memory_space<vmem>>, vector<1x16xf32>,
      %get3A_652 = arith.constant 5 : i32
      %get3A_653 = arith.index_cast %get3A_652 : i32 to index
      %get3A_654 = arith.constant 48 : index
      %get3A_655 = tpu.vector_load %arg7[%get3A_653, %get3A_654] {strides = array<i32>} : memref<8x128xf32, #tpu.memory_space<vmem>>, vector<1x16xf32>,
      %get3A_656 = vector.shape_cast %get3A_655 : vector<1x16xf32> to vector<16xf32>
      %get3A_657 = arith.constant 48 : index
      %get3A_658 = tpu.vector_load %arg8[%get3A_657] {strides = array<i32>} : memref<128xf32, #tpu.memory_space<vmem>>, vector<16xf32>,
      %get3A_659 = vector.shape_cast %get3A_658 : vector<16xf32> to vector<16xf32>
      %mul3A_660 = arith.mulf %get3A_656, %get3A_659 : vector<16xf32>
      %swap3A_661 = arith.constant 5 : i32
      %swap3A_662 = arith.index_cast %swap3A_661 : i32 to index
      %swap3A_663 = arith.constant 48 : index
      %swap3A_664 = tpu.vector_load %arg7[%swap3A_662, %swap3A_663] {strides = array<i32>} : memref<8x128xf32, #tpu.memory_space<vmem>>, vector<1x16xf32>,
      %swap3A_665 = vector.shape_cast %swap3A_664 : vector<1x16xf32> to vector<16xf32>
      %swap3A_666 = vector.shape_cast %mul3A_660 : vector<16xf32> to vector<1x16xf32>
      tpu.vector_store %arg7[%swap3A_662, %swap3A_663], %swap3A_666 {strides = array<i32>} : memref<8x128xf32, #tpu.memory_space<vmem>>, vector<1x16xf32>,
      %get3A_667 = arith.constant 5 : i32
      %get3A_668 = arith.index_cast %get3A_667 : i32 to index
      %get3A_669 = arith.constant 64 : index
      %get3A_670 = tpu.vector_load %arg7[%get3A_668, %get3A_669] {strides = array<i32>} : memref<8x128xf32, #tpu.memory_space<vmem>>, vector<1x16xf32>,
      %get3A_671 = vector.shape_cast %get3A_670 : vector<1x16xf32> to vector<16xf32>
      %get3A_672 = arith.constant 64 : index
      %get3A_673 = tpu.vector_load %arg8[%get3A_672] {strides = array<i32>} : memref<128xf32, #tpu.memory_space<vmem>>, vector<16xf32>,
      %get3A_674 = vector.shape_cast %get3A_673 : vector<16xf32> to vector<16xf32>
      %mul3A_675 = arith.mulf %get3A_671, %get3A_674 : vector<16xf32>
      %swap3A_676 = arith.constant 5 : i32
      %swap3A_677 = arith.index_cast %swap3A_676 : i32 to index
      %swap3A_678 = arith.constant 64 : index
      %swap3A_679 = tpu.vector_load %arg7[%swap3A_677, %swap3A_678] {strides = array<i32>} : memref<8x128xf32, #tpu.memory_space<vmem>>, vector<1x16xf32>,
      %swap3A_680 = vector.shape_cast %swap3A_679 : vector<1x16xf32> to vector<16xf32>
      %swap3A_681 = vector.shape_cast %mul3A_675 : vector<16xf32> to vector<1x16xf32>
      tpu.vector_store %arg7[%swap3A_677, %swap3A_678], %swap3A_681 {strides = array<i32>} : memref<8x128xf32, #tpu.memory_space<vmem>>, vector<1x16xf32>,
      %get3A_682 = arith.constant 5 : i32
      %get3A_683 = arith.index_cast %get3A_682 : i32 to index
      %get3A_684 = arith.constant 80 : index
      %get3A_685 = tpu.vector_load %arg7[%get3A_683, %get3A_684] {strides = array<i32>} : memref<8x128xf32, #tpu.memory_space<vmem>>, vector<1x16xf32>,
      %get3A_686 = vector.shape_cast %get3A_685 : vector<1x16xf32> to vector<16xf32>
      %get3A_687 = arith.constant 80 : index
      %get3A_688 = tpu.vector_load %arg8[%get3A_687] {strides = array<i32>} : memref<128xf32, #tpu.memory_space<vmem>>, vector<16xf32>,
      %get3A_689 = vector.shape_cast %get3A_688 : vector<16xf32> to vector<16xf32>
      %mul3A_690 = arith.mulf %get3A_686, %get3A_689 : vector<16xf32>
      %swap3A_691 = arith.constant 5 : i32
      %swap3A_692 = arith.index_cast %swap3A_691 : i32 to index
      %swap3A_693 = arith.constant 80 : index
      %swap3A_694 = tpu.vector_load %arg7[%swap3A_692, %swap3A_693] {strides = array<i32>} : memref<8x128xf32, #tpu.memory_space<vmem>>, vector<1x16xf32>,
      %swap3A_695 = vector.shape_cast %swap3A_694 : vector<1x16xf32> to vector<16xf32>
      %swap3A_696 = vector.shape_cast %mul3A_690 : vector<16xf32> to vector<1x16xf32>
      tpu.vector_store %arg7[%swap3A_692, %swap3A_693], %swap3A_696 {strides = array<i32>} : memref<8x128xf32, #tpu.memory_space<vmem>>, vector<1x16xf32>,
      %get3A_697 = arith.constant 5 : i32
      %get3A_698 = arith.index_cast %get3A_697 : i32 to index
      %get3A_699 = arith.constant 96 : index
      %get3A_700 = tpu.vector_load %arg7[%get3A_698, %get3A_699] {strides = array<i32>} : memref<8x128xf32, #tpu.memory_space<vmem>>, vector<1x16xf32>,
      %get3A_701 = vector.shape_cast %get3A_700 : vector<1x16xf32> to vector<16xf32>
      %get3A_702 = arith.constant 96 : index
      %get3A_703 = tpu.vector_load %arg8[%get3A_702] {strides = array<i32>} : memref<128xf32, #tpu.memory_space<vmem>>, vector<16xf32>,
      %get3A_704 = vector.shape_cast %get3A_703 : vector<16xf32> to vector<16xf32>
      %mul3A_705 = arith.mulf %get3A_701, %get3A_704 : vector<16xf32>
      %swap3A_706 = arith.constant 5 : i32
      %swap3A_707 = arith.index_cast %swap3A_706 : i32 to index
      %swap3A_708 = arith.constant 96 : index
      %swap3A_709 = tpu.vector_load %arg7[%swap3A_707, %swap3A_708] {strides = array<i32>} : memref<8x128xf32, #tpu.memory_space<vmem>>, vector<1x16xf32>,
      %swap3A_710 = vector.shape_cast %swap3A_709 : vector<1x16xf32> to vector<16xf32>
      %swap3A_711 = vector.shape_cast %mul3A_705 : vector<16xf32> to vector<1x16xf32>
      tpu.vector_store %arg7[%swap3A_707, %swap3A_708], %swap3A_711 {strides = array<i32>} : memref<8x128xf32, #tpu.memory_space<vmem>>, vector<1x16xf32>,
      %get3A_712 = arith.constant 5 : i32
      %get3A_713 = arith.index_cast %get3A_712 : i32 to index
      %get3A_714 = arith.constant 112 : index
      %get3A_715 = tpu.vector_load %arg7[%get3A_713, %get3A_714] {strides = array<i32>} : memref<8x128xf32, #tpu.memory_space<vmem>>, vector<1x16xf32>,
      %get3A_716 = vector.shape_cast %get3A_715 : vector<1x16xf32> to vector<16xf32>
      %get3A_717 = arith.constant 112 : index
      %get3A_718 = tpu.vector_load %arg8[%get3A_717] {strides = array<i32>} : memref<128xf32, #tpu.memory_space<vmem>>, vector<16xf32>,
      %get3A_719 = vector.shape_cast %get3A_718 : vector<16xf32> to vector<16xf32>
      %mul3A_720 = arith.mulf %get3A_716, %get3A_719 : vector<16xf32>
      %swap3A_721 = arith.constant 5 : i32
      %swap3A_722 = arith.index_cast %swap3A_721 : i32 to index
      %swap3A_723 = arith.constant 112 : index
      %swap3A_724 = tpu.vector_load %arg7[%swap3A_722, %swap3A_723] {strides = array<i32>} : memref<8x128xf32, #tpu.memory_space<vmem>>, vector<1x16xf32>,
      %swap3A_725 = vector.shape_cast %swap3A_724 : vector<1x16xf32> to vector<16xf32>
      %swap3A_726 = vector.shape_cast %mul3A_720 : vector<16xf32> to vector<1x16xf32>
      tpu.vector_store %arg7[%swap3A_722, %swap3A_723], %swap3A_726 {strides = array<i32>} : memref<8x128xf32, #tpu.memory_space<vmem>>, vector<1x16xf32>,
      %get3A_727 = arith.constant 6 : i32
      %get3A_728 = arith.index_cast %get3A_727 : i32 to index
      %get3A_729 = arith.constant 0 : index
      %get3A_730 = tpu.vector_load %arg7[%get3A_728, %get3A_729] {strides = array<i32>} : memref<8x128xf32, #tpu.memory_space<vmem>>, vector<1x16xf32>,
      %get3A_731 = vector.shape_cast %get3A_730 : vector<1x16xf32> to vector<16xf32>
      %get3A_732 = arith.constant 0 : index
      %get3A_733 = tpu.vector_load %arg8[%get3A_732] {strides = array<i32>} : memref<128xf32, #tpu.memory_space<vmem>>, vector<16xf32>,
      %get3A_734 = vector.shape_cast %get3A_733 : vector<16xf32> to vector<16xf32>
      %mul3A_735 = arith.mulf %get3A_731, %get3A_734 : vector<16xf32>
      %swap3A_736 = arith.constant 6 : i32
      %swap3A_737 = arith.index_cast %swap3A_736 : i32 to index
      %swap3A_738 = arith.constant 0 : index
      %swap3A_739 = tpu.vector_load %arg7[%swap3A_737, %swap3A_738] {strides = array<i32>} : memref<8x128xf32, #tpu.memory_space<vmem>>, vector<1x16xf32>,
      %swap3A_740 = vector.shape_cast %swap3A_739 : vector<1x16xf32> to vector<16xf32>
      %swap3A_741 = vector.shape_cast %mul3A_735 : vector<16xf32> to vector<1x16xf32>
      tpu.vector_store %arg7[%swap3A_737, %swap3A_738], %swap3A_741 {strides = array<i32>} : memref<8x128xf32, #tpu.memory_space<vmem>>, vector<1x16xf32>,
      %get3A_742 = arith.constant 6 : i32
      %get3A_743 = arith.index_cast %get3A_742 : i32 to index
      %get3A_744 = arith.constant 16 : index
      %get3A_745 = tpu.vector_load %arg7[%get3A_743, %get3A_744] {strides = array<i32>} : memref<8x128xf32, #tpu.memory_space<vmem>>, vector<1x16xf32>,
      %get3A_746 = vector.shape_cast %get3A_745 : vector<1x16xf32> to vector<16xf32>
      %get3A_747 = arith.constant 16 : index
      %get3A_748 = tpu.vector_load %arg8[%get3A_747] {strides = array<i32>} : memref<128xf32, #tpu.memory_space<vmem>>, vector<16xf32>,
      %get3A_749 = vector.shape_cast %get3A_748 : vector<16xf32> to vector<16xf32>
      %mul3A_750 = arith.mulf %get3A_746, %get3A_749 : vector<16xf32>
      %swap3A_751 = arith.constant 6 : i32
      %swap3A_752 = arith.index_cast %swap3A_751 : i32 to index
      %swap3A_753 = arith.constant 16 : index
      %swap3A_754 = tpu.vector_load %arg7[%swap3A_752, %swap3A_753] {strides = array<i32>} : memref<8x128xf32, #tpu.memory_space<vmem>>, vector<1x16xf32>,
      %swap3A_755 = vector.shape_cast %swap3A_754 : vector<1x16xf32> to vector<16xf32>
      %swap3A_756 = vector.shape_cast %mul3A_750 : vector<16xf32> to vector<1x16xf32>
      tpu.vector_store %arg7[%swap3A_752, %swap3A_753], %swap3A_756 {strides = array<i32>} : memref<8x128xf32, #tpu.memory_space<vmem>>, vector<1x16xf32>,
      %get3A_757 = arith.constant 6 : i32
      %get3A_758 = arith.index_cast %get3A_757 : i32 to index
      %get3A_759 = arith.constant 32 : index
      %get3A_760 = tpu.vector_load %arg7[%get3A_758, %get3A_759] {strides = array<i32>} : memref<8x128xf32, #tpu.memory_space<vmem>>, vector<1x16xf32>,
      %get3A_761 = vector.shape_cast %get3A_760 : vector<1x16xf32> to vector<16xf32>
      %get3A_762 = arith.constant 32 : index
      %get3A_763 = tpu.vector_load %arg8[%get3A_762] {strides = array<i32>} : memref<128xf32, #tpu.memory_space<vmem>>, vector<16xf32>,
      %get3A_764 = vector.shape_cast %get3A_763 : vector<16xf32> to vector<16xf32>
      %mul3A_765 = arith.mulf %get3A_761, %get3A_764 : vector<16xf32>
      %swap3A_766 = arith.constant 6 : i32
      %swap3A_767 = arith.index_cast %swap3A_766 : i32 to index
      %swap3A_768 = arith.constant 32 : index
      %swap3A_769 = tpu.vector_load %arg7[%swap3A_767, %swap3A_768] {strides = array<i32>} : memref<8x128xf32, #tpu.memory_space<vmem>>, vector<1x16xf32>,
      %swap3A_770 = vector.shape_cast %swap3A_769 : vector<1x16xf32> to vector<16xf32>
      %swap3A_771 = vector.shape_cast %mul3A_765 : vector<16xf32> to vector<1x16xf32>
      tpu.vector_store %arg7[%swap3A_767, %swap3A_768], %swap3A_771 {strides = array<i32>} : memref<8x128xf32, #tpu.memory_space<vmem>>, vector<1x16xf32>,
      %get3A_772 = arith.constant 6 : i32
      %get3A_773 = arith.index_cast %get3A_772 : i32 to index
      %get3A_774 = arith.constant 48 : index
      %get3A_775 = tpu.vector_load %arg7[%get3A_773, %get3A_774] {strides = array<i32>} : memref<8x128xf32, #tpu.memory_space<vmem>>, vector<1x16xf32>,
      %get3A_776 = vector.shape_cast %get3A_775 : vector<1x16xf32> to vector<16xf32>
      %get3A_777 = arith.constant 48 : index
      %get3A_778 = tpu.vector_load %arg8[%get3A_777] {strides = array<i32>} : memref<128xf32, #tpu.memory_space<vmem>>, vector<16xf32>,
      %get3A_779 = vector.shape_cast %get3A_778 : vector<16xf32> to vector<16xf32>
      %mul3A_780 = arith.mulf %get3A_776, %get3A_779 : vector<16xf32>
      %swap3A_781 = arith.constant 6 : i32
      %swap3A_782 = arith.index_cast %swap3A_781 : i32 to index
      %swap3A_783 = arith.constant 48 : index
      %swap3A_784 = tpu.vector_load %arg7[%swap3A_782, %swap3A_783] {strides = array<i32>} : memref<8x128xf32, #tpu.memory_space<vmem>>, vector<1x16xf32>,
      %swap3A_785 = vector.shape_cast %swap3A_784 : vector<1x16xf32> to vector<16xf32>
      %swap3A_786 = vector.shape_cast %mul3A_780 : vector<16xf32> to vector<1x16xf32>
      tpu.vector_store %arg7[%swap3A_782, %swap3A_783], %swap3A_786 {strides = array<i32>} : memref<8x128xf32, #tpu.memory_space<vmem>>, vector<1x16xf32>,
      %get3A_787 = arith.constant 6 : i32
      %get3A_788 = arith.index_cast %get3A_787 : i32 to index
      %get3A_789 = arith.constant 64 : index
      %get3A_790 = tpu.vector_load %arg7[%get3A_788, %get3A_789] {strides = array<i32>} : memref<8x128xf32, #tpu.memory_space<vmem>>, vector<1x16xf32>,
      %get3A_791 = vector.shape_cast %get3A_790 : vector<1x16xf32> to vector<16xf32>
      %get3A_792 = arith.constant 64 : index
      %get3A_793 = tpu.vector_load %arg8[%get3A_792] {strides = array<i32>} : memref<128xf32, #tpu.memory_space<vmem>>, vector<16xf32>,
      %get3A_794 = vector.shape_cast %get3A_793 : vector<16xf32> to vector<16xf32>
      %mul3A_795 = arith.mulf %get3A_791, %get3A_794 : vector<16xf32>
      %swap3A_796 = arith.constant 6 : i32
      %swap3A_797 = arith.index_cast %swap3A_796 : i32 to index
      %swap3A_798 = arith.constant 64 : index
      %swap3A_799 = tpu.vector_load %arg7[%swap3A_797, %swap3A_798] {strides = array<i32>} : memref<8x128xf32, #tpu.memory_space<vmem>>, vector<1x16xf32>,
      %swap3A_800 = vector.shape_cast %swap3A_799 : vector<1x16xf32> to vector<16xf32>
      %swap3A_801 = vector.shape_cast %mul3A_795 : vector<16xf32> to vector<1x16xf32>
      tpu.vector_store %arg7[%swap3A_797, %swap3A_798], %swap3A_801 {strides = array<i32>} : memref<8x128xf32, #tpu.memory_space<vmem>>, vector<1x16xf32>,
      %get3A_802 = arith.constant 6 : i32
      %get3A_803 = arith.index_cast %get3A_802 : i32 to index
      %get3A_804 = arith.constant 80 : index
      %get3A_805 = tpu.vector_load %arg7[%get3A_803, %get3A_804] {strides = array<i32>} : memref<8x128xf32, #tpu.memory_space<vmem>>, vector<1x16xf32>,
      %get3A_806 = vector.shape_cast %get3A_805 : vector<1x16xf32> to vector<16xf32>
      %get3A_807 = arith.constant 80 : index
      %get3A_808 = tpu.vector_load %arg8[%get3A_807] {strides = array<i32>} : memref<128xf32, #tpu.memory_space<vmem>>, vector<16xf32>,
      %get3A_809 = vector.shape_cast %get3A_808 : vector<16xf32> to vector<16xf32>
      %mul3A_810 = arith.mulf %get3A_806, %get3A_809 : vector<16xf32>
      %swap3A_811 = arith.constant 6 : i32
      %swap3A_812 = arith.index_cast %swap3A_811 : i32 to index
      %swap3A_813 = arith.constant 80 : index
      %swap3A_814 = tpu.vector_load %arg7[%swap3A_812, %swap3A_813] {strides = array<i32>} : memref<8x128xf32, #tpu.memory_space<vmem>>, vector<1x16xf32>,
      %swap3A_815 = vector.shape_cast %swap3A_814 : vector<1x16xf32> to vector<16xf32>
      %swap3A_816 = vector.shape_cast %mul3A_810 : vector<16xf32> to vector<1x16xf32>
      tpu.vector_store %arg7[%swap3A_812, %swap3A_813], %swap3A_816 {strides = array<i32>} : memref<8x128xf32, #tpu.memory_space<vmem>>, vector<1x16xf32>,
      %get3A_817 = arith.constant 6 : i32
      %get3A_818 = arith.index_cast %get3A_817 : i32 to index
      %get3A_819 = arith.constant 96 : index
      %get3A_820 = tpu.vector_load %arg7[%get3A_818, %get3A_819] {strides = array<i32>} : memref<8x128xf32, #tpu.memory_space<vmem>>, vector<1x16xf32>,
      %get3A_821 = vector.shape_cast %get3A_820 : vector<1x16xf32> to vector<16xf32>
      %get3A_822 = arith.constant 96 : index
      %get3A_823 = tpu.vector_load %arg8[%get3A_822] {strides = array<i32>} : memref<128xf32, #tpu.memory_space<vmem>>, vector<16xf32>,
      %get3A_824 = vector.shape_cast %get3A_823 : vector<16xf32> to vector<16xf32>
      %mul3A_825 = arith.mulf %get3A_821, %get3A_824 : vector<16xf32>
      %swap3A_826 = arith.constant 6 : i32
      %swap3A_827 = arith.index_cast %swap3A_826 : i32 to index
      %swap3A_828 = arith.constant 96 : index
      %swap3A_829 = tpu.vector_load %arg7[%swap3A_827, %swap3A_828] {strides = array<i32>} : memref<8x128xf32, #tpu.memory_space<vmem>>, vector<1x16xf32>,
      %swap3A_830 = vector.shape_cast %swap3A_829 : vector<1x16xf32> to vector<16xf32>
      %swap3A_831 = vector.shape_cast %mul3A_825 : vector<16xf32> to vector<1x16xf32>
      tpu.vector_store %arg7[%swap3A_827, %swap3A_828], %swap3A_831 {strides = array<i32>} : memref<8x128xf32, #tpu.memory_space<vmem>>, vector<1x16xf32>,
      %get3A_832 = arith.constant 6 : i32
      %get3A_833 = arith.index_cast %get3A_832 : i32 to index
      %get3A_834 = arith.constant 112 : index
      %get3A_835 = tpu.vector_load %arg7[%get3A_833, %get3A_834] {strides = array<i32>} : memref<8x128xf32, #tpu.memory_space<vmem>>, vector<1x16xf32>,
      %get3A_836 = vector.shape_cast %get3A_835 : vector<1x16xf32> to vector<16xf32>
      %get3A_837 = arith.constant 112 : index
      %get3A_838 = tpu.vector_load %arg8[%get3A_837] {strides = array<i32>} : memref<128xf32, #tpu.memory_space<vmem>>, vector<16xf32>,
      %get3A_839 = vector.shape_cast %get3A_838 : vector<16xf32> to vector<16xf32>
      %mul3A_840 = arith.mulf %get3A_836, %get3A_839 : vector<16xf32>
      %swap3A_841 = arith.constant 6 : i32
      %swap3A_842 = arith.index_cast %swap3A_841 : i32 to index
      %swap3A_843 = arith.constant 112 : index
      %swap3A_844 = tpu.vector_load %arg7[%swap3A_842, %swap3A_843] {strides = array<i32>} : memref<8x128xf32, #tpu.memory_space<vmem>>, vector<1x16xf32>,
      %swap3A_845 = vector.shape_cast %swap3A_844 : vector<1x16xf32> to vector<16xf32>
      %swap3A_846 = vector.shape_cast %mul3A_840 : vector<16xf32> to vector<1x16xf32>
      tpu.vector_store %arg7[%swap3A_842, %swap3A_843], %swap3A_846 {strides = array<i32>} : memref<8x128xf32, #tpu.memory_space<vmem>>, vector<1x16xf32>,
      %get3A_847 = arith.constant 7 : i32
      %get3A_848 = arith.index_cast %get3A_847 : i32 to index
      %get3A_849 = arith.constant 0 : index
      %get3A_850 = tpu.vector_load %arg7[%get3A_848, %get3A_849] {strides = array<i32>} : memref<8x128xf32, #tpu.memory_space<vmem>>, vector<1x16xf32>,
      %get3A_851 = vector.shape_cast %get3A_850 : vector<1x16xf32> to vector<16xf32>
      %get3A_852 = arith.constant 0 : index
      %get3A_853 = tpu.vector_load %arg8[%get3A_852] {strides = array<i32>} : memref<128xf32, #tpu.memory_space<vmem>>, vector<16xf32>,
      %get3A_854 = vector.shape_cast %get3A_853 : vector<16xf32> to vector<16xf32>
      %mul3A_855 = arith.mulf %get3A_851, %get3A_854 : vector<16xf32>
      %swap3A_856 = arith.constant 7 : i32
      %swap3A_857 = arith.index_cast %swap3A_856 : i32 to index
      %swap3A_858 = arith.constant 0 : index
      %swap3A_859 = tpu.vector_load %arg7[%swap3A_857, %swap3A_858] {strides = array<i32>} : memref<8x128xf32, #tpu.memory_space<vmem>>, vector<1x16xf32>,
      %swap3A_860 = vector.shape_cast %swap3A_859 : vector<1x16xf32> to vector<16xf32>
      %swap3A_861 = vector.shape_cast %mul3A_855 : vector<16xf32> to vector<1x16xf32>
      tpu.vector_store %arg7[%swap3A_857, %swap3A_858], %swap3A_861 {strides = array<i32>} : memref<8x128xf32, #tpu.memory_space<vmem>>, vector<1x16xf32>,
      %get3A_862 = arith.constant 7 : i32
      %get3A_863 = arith.index_cast %get3A_862 : i32 to index
      %get3A_864 = arith.constant 16 : index
      %get3A_865 = tpu.vector_load %arg7[%get3A_863, %get3A_864] {strides = array<i32>} : memref<8x128xf32, #tpu.memory_space<vmem>>, vector<1x16xf32>,
      %get3A_866 = vector.shape_cast %get3A_865 : vector<1x16xf32> to vector<16xf32>
      %get3A_867 = arith.constant 16 : index
      %get3A_868 = tpu.vector_load %arg8[%get3A_867] {strides = array<i32>} : memref<128xf32, #tpu.memory_space<vmem>>, vector<16xf32>,
      %get3A_869 = vector.shape_cast %get3A_868 : vector<16xf32> to vector<16xf32>
      %mul3A_870 = arith.mulf %get3A_866, %get3A_869 : vector<16xf32>
      %swap3A_871 = arith.constant 7 : i32
      %swap3A_872 = arith.index_cast %swap3A_871 : i32 to index
      %swap3A_873 = arith.constant 16 : index
      %swap3A_874 = tpu.vector_load %arg7[%swap3A_872, %swap3A_873] {strides = array<i32>} : memref<8x128xf32, #tpu.memory_space<vmem>>, vector<1x16xf32>,
      %swap3A_875 = vector.shape_cast %swap3A_874 : vector<1x16xf32> to vector<16xf32>
      %swap3A_876 = vector.shape_cast %mul3A_870 : vector<16xf32> to vector<1x16xf32>
      tpu.vector_store %arg7[%swap3A_872, %swap3A_873], %swap3A_876 {strides = array<i32>} : memref<8x128xf32, #tpu.memory_space<vmem>>, vector<1x16xf32>,
      %get3A_877 = arith.constant 7 : i32
      %get3A_878 = arith.index_cast %get3A_877 : i32 to index
      %get3A_879 = arith.constant 32 : index
      %get3A_880 = tpu.vector_load %arg7[%get3A_878, %get3A_879] {strides = array<i32>} : memref<8x128xf32, #tpu.memory_space<vmem>>, vector<1x16xf32>,
      %get3A_881 = vector.shape_cast %get3A_880 : vector<1x16xf32> to vector<16xf32>
      %get3A_882 = arith.constant 32 : index
      %get3A_883 = tpu.vector_load %arg8[%get3A_882] {strides = array<i32>} : memref<128xf32, #tpu.memory_space<vmem>>, vector<16xf32>,
      %get3A_884 = vector.shape_cast %get3A_883 : vector<16xf32> to vector<16xf32>
      %mul3A_885 = arith.mulf %get3A_881, %get3A_884 : vector<16xf32>
      %swap3A_886 = arith.constant 7 : i32
      %swap3A_887 = arith.index_cast %swap3A_886 : i32 to index
      %swap3A_888 = arith.constant 32 : index
      %swap3A_889 = tpu.vector_load %arg7[%swap3A_887, %swap3A_888] {strides = array<i32>} : memref<8x128xf32, #tpu.memory_space<vmem>>, vector<1x16xf32>,
      %swap3A_890 = vector.shape_cast %swap3A_889 : vector<1x16xf32> to vector<16xf32>
      %swap3A_891 = vector.shape_cast %mul3A_885 : vector<16xf32> to vector<1x16xf32>
      tpu.vector_store %arg7[%swap3A_887, %swap3A_888], %swap3A_891 {strides = array<i32>} : memref<8x128xf32, #tpu.memory_space<vmem>>, vector<1x16xf32>,
      %get3A_892 = arith.constant 7 : i32
      %get3A_893 = arith.index_cast %get3A_892 : i32 to index
      %get3A_894 = arith.constant 48 : index
      %get3A_895 = tpu.vector_load %arg7[%get3A_893, %get3A_894] {strides = array<i32>} : memref<8x128xf32, #tpu.memory_space<vmem>>, vector<1x16xf32>,
      %get3A_896 = vector.shape_cast %get3A_895 : vector<1x16xf32> to vector<16xf32>
      %get3A_897 = arith.constant 48 : index
      %get3A_898 = tpu.vector_load %arg8[%get3A_897] {strides = array<i32>} : memref<128xf32, #tpu.memory_space<vmem>>, vector<16xf32>,
      %get3A_899 = vector.shape_cast %get3A_898 : vector<16xf32> to vector<16xf32>
      %mul3A_900 = arith.mulf %get3A_896, %get3A_899 : vector<16xf32>
      %swap3A_901 = arith.constant 7 : i32
      %swap3A_902 = arith.index_cast %swap3A_901 : i32 to index
      %swap3A_903 = arith.constant 48 : index
      %swap3A_904 = tpu.vector_load %arg7[%swap3A_902, %swap3A_903] {strides = array<i32>} : memref<8x128xf32, #tpu.memory_space<vmem>>, vector<1x16xf32>,
      %swap3A_905 = vector.shape_cast %swap3A_904 : vector<1x16xf32> to vector<16xf32>
      %swap3A_906 = vector.shape_cast %mul3A_900 : vector<16xf32> to vector<1x16xf32>
      tpu.vector_store %arg7[%swap3A_902, %swap3A_903], %swap3A_906 {strides = array<i32>} : memref<8x128xf32, #tpu.memory_space<vmem>>, vector<1x16xf32>,
      %get3A_907 = arith.constant 7 : i32
      %get3A_908 = arith.index_cast %get3A_907 : i32 to index
      %get3A_909 = arith.constant 64 : index
      %get3A_910 = tpu.vector_load %arg7[%get3A_908, %get3A_909] {strides = array<i32>} : memref<8x128xf32, #tpu.memory_space<vmem>>, vector<1x16xf32>,
      %get3A_911 = vector.shape_cast %get3A_910 : vector<1x16xf32> to vector<16xf32>
      %get3A_912 = arith.constant 64 : index
      %get3A_913 = tpu.vector_load %arg8[%get3A_912] {strides = array<i32>} : memref<128xf32, #tpu.memory_space<vmem>>, vector<16xf32>,
      %get3A_914 = vector.shape_cast %get3A_913 : vector<16xf32> to vector<16xf32>
      %mul3A_915 = arith.mulf %get3A_911, %get3A_914 : vector<16xf32>
      %swap3A_916 = arith.constant 7 : i32
      %swap3A_917 = arith.index_cast %swap3A_916 : i32 to index
      %swap3A_918 = arith.constant 64 : index
      %swap3A_919 = tpu.vector_load %arg7[%swap3A_917, %swap3A_918] {strides = array<i32>} : memref<8x128xf32, #tpu.memory_space<vmem>>, vector<1x16xf32>,
      %swap3A_920 = vector.shape_cast %swap3A_919 : vector<1x16xf32> to vector<16xf32>
      %swap3A_921 = vector.shape_cast %mul3A_915 : vector<16xf32> to vector<1x16xf32>
      tpu.vector_store %arg7[%swap3A_917, %swap3A_918], %swap3A_921 {strides = array<i32>} : memref<8x128xf32, #tpu.memory_space<vmem>>, vector<1x16xf32>,
      %get3A_922 = arith.constant 7 : i32
      %get3A_923 = arith.index_cast %get3A_922 : i32 to index
      %get3A_924 = arith.constant 80 : index
      %get3A_925 = tpu.vector_load %arg7[%get3A_923, %get3A_924] {strides = array<i32>} : memref<8x128xf32, #tpu.memory_space<vmem>>, vector<1x16xf32>,
      %get3A_926 = vector.shape_cast %get3A_925 : vector<1x16xf32> to vector<16xf32>
      %get3A_927 = arith.constant 80 : index
      %get3A_928 = tpu.vector_load %arg8[%get3A_927] {strides = array<i32>} : memref<128xf32, #tpu.memory_space<vmem>>, vector<16xf32>,
      %get3A_929 = vector.shape_cast %get3A_928 : vector<16xf32> to vector<16xf32>
      %mul3A_930 = arith.mulf %get3A_926, %get3A_929 : vector<16xf32>
      %swap3A_931 = arith.constant 7 : i32
      %swap3A_932 = arith.index_cast %swap3A_931 : i32 to index
      %swap3A_933 = arith.constant 80 : index
      %swap3A_934 = tpu.vector_load %arg7[%swap3A_932, %swap3A_933] {strides = array<i32>} : memref<8x128xf32, #tpu.memory_space<vmem>>, vector<1x16xf32>,
      %swap3A_935 = vector.shape_cast %swap3A_934 : vector<1x16xf32> to vector<16xf32>
      %swap3A_936 = vector.shape_cast %mul3A_930 : vector<16xf32> to vector<1x16xf32>
      tpu.vector_store %arg7[%swap3A_932, %swap3A_933], %swap3A_936 {strides = array<i32>} : memref<8x128xf32, #tpu.memory_space<vmem>>, vector<1x16xf32>,
      %get3A_937 = arith.constant 7 : i32
      %get3A_938 = arith.index_cast %get3A_937 : i32 to index
      %get3A_939 = arith.constant 96 : index
      %get3A_940 = tpu.vector_load %arg7[%get3A_938, %get3A_939] {strides = array<i32>} : memref<8x128xf32, #tpu.memory_space<vmem>>, vector<1x16xf32>,
      %get3A_941 = vector.shape_cast %get3A_940 : vector<1x16xf32> to vector<16xf32>
      %get3A_942 = arith.constant 96 : index
      %get3A_943 = tpu.vector_load %arg8[%get3A_942] {strides = array<i32>} : memref<128xf32, #tpu.memory_space<vmem>>, vector<16xf32>,
      %get3A_944 = vector.shape_cast %get3A_943 : vector<16xf32> to vector<16xf32>
      %mul3A_945 = arith.mulf %get3A_941, %get3A_944 : vector<16xf32>
      %swap3A_946 = arith.constant 7 : i32
      %swap3A_947 = arith.index_cast %swap3A_946 : i32 to index
      %swap3A_948 = arith.constant 96 : index
      %swap3A_949 = tpu.vector_load %arg7[%swap3A_947, %swap3A_948] {strides = array<i32>} : memref<8x128xf32, #tpu.memory_space<vmem>>, vector<1x16xf32>,
      %swap3A_950 = vector.shape_cast %swap3A_949 : vector<1x16xf32> to vector<16xf32>
      %swap3A_951 = vector.shape_cast %mul3A_945 : vector<16xf32> to vector<1x16xf32>
      tpu.vector_store %arg7[%swap3A_947, %swap3A_948], %swap3A_951 {strides = array<i32>} : memref<8x128xf32, #tpu.memory_space<vmem>>, vector<1x16xf32>,
      %get3A_952 = arith.constant 7 : i32
      %get3A_953 = arith.index_cast %get3A_952 : i32 to index
      %get3A_954 = arith.constant 112 : index
      %get3A_955 = tpu.vector_load %arg7[%get3A_953, %get3A_954] {strides = array<i32>} : memref<8x128xf32, #tpu.memory_space<vmem>>, vector<1x16xf32>,
      %get3A_956 = vector.shape_cast %get3A_955 : vector<1x16xf32> to vector<16xf32>
      %get3A_957 = arith.constant 112 : index
      %get3A_958 = tpu.vector_load %arg8[%get3A_957] {strides = array<i32>} : memref<128xf32, #tpu.memory_space<vmem>>, vector<16xf32>,
      %get3A_959 = vector.shape_cast %get3A_958 : vector<16xf32> to vector<16xf32>
      %mul3A_960 = arith.mulf %get3A_956, %get3A_959 : vector<16xf32>
      %swap3A_961 = arith.constant 7 : i32
      %swap3A_962 = arith.index_cast %swap3A_961 : i32 to index
      %swap3A_963 = arith.constant 112 : index
      %swap3A_964 = tpu.vector_load %arg7[%swap3A_962, %swap3A_963] {strides = array<i32>} : memref<8x128xf32, #tpu.memory_space<vmem>>, vector<1x16xf32>,
      %swap3A_965 = vector.shape_cast %swap3A_964 : vector<1x16xf32> to vector<16xf32>
      %swap3A_966 = vector.shape_cast %mul3A_960 : vector<16xf32> to vector<1x16xf32>
      tpu.vector_store %arg7[%swap3A_962, %swap3A_963], %swap3A_966 {strides = array<i32>} : memref<8x128xf32, #tpu.memory_space<vmem>>, vector<1x16xf32>,
      "tpu.region"() ({
        %run_scoped3A = tpu.sem_alloc : memref<!tpu.dma_semaphore, #tpu.memory_space<semaphore_mem>>
        %dma_start3A_967 = arith.constant 0 : i32
        %dma_start3A_968 = tpu.memref_slice %arg5[%mul3A_4, %dma_start3A_967] : memref<64x128xf32, #tpu.memory_space<hbm>> -> memref<8x128xf32, #tpu.memory_space<hbm>>
        %dma_start3A_969 = arith.constant 0 : i32
        %dma_start3A_970 = tpu.memref_slice %arg5[%mul3A_4, %dma_start3A_969] : memref<64x128xf32, #tpu.memory_space<hbm>> -> memref<8x128xf32, #tpu.memory_space<hbm>>
        tpu.enqueue_dma source(%arg7 : memref<8x128xf32, #tpu.memory_space<vmem>>) target(%dma_start3A_970 : memref<8x128xf32, #tpu.memory_space<hbm>>) target_semaphore(%run_scoped3A : memref<!tpu.dma_semaphore, #tpu.memory_space<semaphore_mem>>)
        %dma_wait3A_971 = arith.constant 0 : i32
        %dma_wait3A_972 = tpu.memref_slice %arg5[%mul3A_4, %dma_wait3A_971] : memref<64x128xf32, #tpu.memory_space<hbm>> -> memref<8x128xf32, #tpu.memory_space<hbm>>
        %dma_wait3A_973 = arith.constant 0 : i32
        %dma_wait3A_974 = tpu.memref_slice %arg5[%mul3A_4, %dma_wait3A_973] : memref<64x128xf32, #tpu.memory_space<hbm>> -> memref<8x128xf32, #tpu.memory_space<hbm>>
        tpu.wait_dma2 semaphore(%run_scoped3A : memref<!tpu.dma_semaphore, #tpu.memory_space<semaphore_mem>>) src(%arg7 : memref<8x128xf32, #tpu.memory_space<vmem>>) dst(%dma_wait3A_974 : memref<8x128xf32, #tpu.memory_space<hbm>>)
        tpu.yield
      }) : () -> ()
    } else {
    }
    return
  }
}

module attributes {stable_mosaic.version = 14 : i64} {
  func.func @_score_kernel(%arg0: i32, %arg1: memref<128x128xf32, #tpu.memory_space<vmem>>, %arg2: memref<2048x128xf32, #tpu.memory_space<vmem>>, %arg3: memref<64x2048xi32, #tpu.memory_space<vmem>>, %arg4: memref<64x2048xf32, #tpu.memory_space<vmem>>) attributes {dimension_semantics = [#tpu.dimension_semantics<parallel>], iteration_bounds = array<i64: 49>, scalar_prefetch = 0 : i64, scratch_operands = 0 : i64, tpu.core_type = #tpu.core_type<tc>, window_params = [{pipeline_mode = #tpu.pipeline_mode<synchronous>, transform_indices = @transform_0, window_bounds = array<i64: 128, 128>}, {transform_indices = @transform_1, window_bounds = array<i64: 2048, 128>}, {transform_indices = @transform_2, window_bounds = array<i64: 64, 2048>}, {transform_indices = @transform_3, window_bounds = array<i64: 64, 2048>}]} {
    %get3A = arith.constant 0 : index
    %get3A_0 = arith.constant 0 : index
    %get3A_1 = vector.load %arg1[%get3A, %get3A_0] : memref<128x128xf32, #tpu.memory_space<vmem>>, vector<128x128xf32>
    %get3A_2 = arith.constant 0 : index
    %get3A_3 = arith.constant 0 : index
    %get3A_4 = vector.load %arg2[%get3A_2, %get3A_3] : memref<2048x128xf32, #tpu.memory_space<vmem>>, vector<2048x128xf32>
    %dot_general3A = arith.constant dense<0.000000e+00> : vector<128x2048xf32>
    %dot_general3A_5 = tpu.matmul %get3A_1, %get3A_4, %dot_general3A {dimension_numbers = #tpu.dot_dimension_numbers<[1], [1], [0], [0], [0, 0, 1, 0], [], []>, transpose_lhs_hint = false} : vector<128x128xf32>, vector<2048x128xf32>, vector<128x2048xf32> -> vector<128x2048xf32>
    %slice3A = vector.extract_strided_slice %dot_general3A_5 {offsets = [0, 0], sizes = [64, 2048], strides = [1, 1]} : vector<128x2048xf32> to vector<64x2048xf32>
    %slice3A_6 = vector.extract_strided_slice %dot_general3A_5 {offsets = [64, 0], sizes = [64, 2048], strides = [1, 1]} : vector<128x2048xf32> to vector<64x2048xf32>
    %sub3A = arith.constant 5.000000e+00 : f32
    %sub3A_7 = vector.broadcast %sub3A : f32 to vector<64x2048xf32>
    %sub3A_8 = arith.subf %slice3A, %sub3A_7 : vector<64x2048xf32>
    %abs3A = math.absf %sub3A_8 : vector<64x2048xf32>
    %bitcast_convert_type3A = tpu.bitcast %abs3A : vector<64x2048xf32> -> vector<64x2048xi32>
    %mul3A = arith.constant 2048 : i32
    %mul3A_9 = arith.muli %arg0, %mul3A : i32
    %iota3A = tpu.iota {dimensions = array<i32: 1>} : vector<64x2048xi32>
    %add3A = vector.broadcast %mul3A_9 : i32 to vector<64x2048xi32>
    %add3A_10 = arith.addi %add3A, %iota3A : vector<64x2048xi32>
    %lt3A = arith.constant 100000 : i32
    %lt3A_11 = vector.broadcast %lt3A : i32 to vector<64x2048xi32>
    %lt3A_12 = arith.cmpi slt, %add3A_10, %lt3A_11 : vector<64x2048xi32>
    %jit3A = arith.constant 2147483647 : i32
    %broadcast_in_dim3A = vector.broadcast %jit3A : i32 to vector<64x2048xi32>
    %select_n3A = arith.select %lt3A_12, %bitcast_convert_type3A, %broadcast_in_dim3A : vector<64x2048xi1>, vector<64x2048xi32>
    %swap3A = arith.constant 0 : index
    %swap3A_13 = arith.constant 0 : index
    %swap3A_14 = vector.load %arg3[%swap3A, %swap3A_13] : memref<64x2048xi32, #tpu.memory_space<vmem>>, vector<64x2048xi32>
    tpu.vector_store %arg3[%swap3A, %swap3A_13], %select_n3A {strides = array<i32>} : memref<64x2048xi32, #tpu.memory_space<vmem>>, vector<64x2048xi32>,
    %jit3A_15 = arith.constant 0.000000e+00 : f32
    %broadcast_in_dim3A_16 = vector.broadcast %jit3A_15 : f32 to vector<64x2048xf32>
    %select_n3A_17 = arith.select %lt3A_12, %slice3A_6, %broadcast_in_dim3A_16 : vector<64x2048xi1>, vector<64x2048xf32>
    %swap3A_18 = arith.constant 0 : index
    %swap3A_19 = arith.constant 0 : index
    %swap3A_20 = vector.load %arg4[%swap3A_18, %swap3A_19] : memref<64x2048xf32, #tpu.memory_space<vmem>>, vector<64x2048xf32>
    tpu.vector_store %arg4[%swap3A_18, %swap3A_19], %select_n3A_17 {strides = array<i32>} : memref<64x2048xf32, #tpu.memory_space<vmem>>, vector<64x2048xf32>,
    return
  }
  func.func @transform_0(%arg0: i32) -> (i32, i32) {
    %c0_i32 = arith.constant 0 : i32
    %c0_i32_0 = arith.constant 0 : i32
    %c0_i32_1 = arith.constant 0 : i32
    return %c0_i32, %c0_i32_0 : i32, i32
  }
  func.func @transform_1(%arg0: i32) -> (i32, i32) {
    %c0_i32 = arith.constant 0 : i32
    %c0_i32_0 = arith.constant 0 : i32
    return %arg0, %c0_i32 : i32, i32
  }
  func.func @transform_2(%arg0: i32) -> (i32, i32) {
    %c0_i32 = arith.constant 0 : i32
    %c0_i32_0 = arith.constant 0 : i32
    return %c0_i32, %arg0 : i32, i32
  }
  func.func @transform_3(%arg0: i32) -> (i32, i32) {
    %c0_i32 = arith.constant 0 : i32
    %c0_i32_0 = arith.constant 0 : i32
    return %c0_i32, %arg0 : i32, i32
  }
}

module attributes {stable_mosaic.version = 14 : i64} {
  func.func @_prep_kernel(%arg0: memref<64x128xf32, #tpu.memory_space<vmem>>, %arg1: memref<128x128xf32, #tpu.memory_space<vmem>>, %arg2: memref<64x128xf32, #tpu.memory_space<vmem>>, %arg3: memref<128x128xf32, #tpu.memory_space<vmem>>) attributes {dimension_semantics = [], scalar_prefetch = 0 : i64, scratch_operands = 0 : i64, tpu.core_type = #tpu.core_type<tc>} {
    %get3A = arith.constant 0 : index
    %get3A_0 = arith.constant 0 : index
    %get3A_1 = vector.load %arg0[%get3A, %get3A_0] : memref<64x128xf32, #tpu.memory_space<vmem>>, vector<64x128xf32>
    %get3A_2 = arith.constant 0 : index
    %get3A_3 = arith.constant 0 : index
    %get3A_4 = vector.load %arg1[%get3A_2, %get3A_3] : memref<128x128xf32, #tpu.memory_space<vmem>>, vector<128x128xf32>
    %dot_general3A = arith.constant dense<0.000000e+00> : vector<64x128xf32>
    %dot_general3A_5 = tpu.matmul %get3A_1, %get3A_4, %dot_general3A {dimension_numbers = #tpu.dot_dimension_numbers<[1], [1], [0], [0], [0, 0, 1, 0], [], []>, transpose_lhs_hint = false} : vector<64x128xf32>, vector<128x128xf32>, vector<64x128xf32> -> vector<64x128xf32>
    %swap3A = arith.constant 0 : index
    %swap3A_6 = arith.constant 0 : index
    %swap3A_7 = vector.load %arg3[%swap3A, %swap3A_6] : memref<128x128xf32, #tpu.memory_space<vmem>>, vector<64x128xf32>
    tpu.vector_store %arg3[%swap3A, %swap3A_6], %dot_general3A_5 {strides = array<i32>} : memref<128x128xf32, #tpu.memory_space<vmem>>, vector<64x128xf32>,
    %get3A_8 = arith.constant 0 : index
    %get3A_9 = arith.constant 0 : index
    %get3A_10 = vector.load %arg2[%get3A_8, %get3A_9] : memref<64x128xf32, #tpu.memory_space<vmem>>, vector<64x128xf32>
    %swap3A_11 = arith.constant 64 : index
    %swap3A_12 = arith.constant 0 : index
    %swap3A_13 = vector.load %arg3[%swap3A_11, %swap3A_12] : memref<128x128xf32, #tpu.memory_space<vmem>>, vector<64x128xf32>
    tpu.vector_store %arg3[%swap3A_11, %swap3A_12], %get3A_10 {strides = array<i32>} : memref<128x128xf32, #tpu.memory_space<vmem>>, vector<64x128xf32>,
    return
  }
}

module attributes {stable_mosaic.version = 14 : i64} {
  func.func @_select_kernel(%arg0: i32, %arg1: memref<8x100352xi32, #tpu.memory_space<vmem>>, %arg2: memref<8x100352xf32, #tpu.memory_space<vmem>>, %arg3: memref<8x128xf32, #tpu.memory_space<vmem>>) attributes {dimension_semantics = [#tpu.dimension_semantics<parallel>], iteration_bounds = array<i64: 8>, scalar_prefetch = 0 : i64, scratch_operands = 0 : i64, tpu.core_type = #tpu.core_type<tc>, window_params = [{transform_indices = @transform_0, window_bounds = array<i64: 8, 100352>}, {transform_indices = @transform_1, window_bounds = array<i64: 8, 100352>}, {transform_indices = @transform_2, window_bounds = array<i64: 8, 128>}]} {
    %get3A = arith.constant 0 : index
    %get3A_0 = arith.constant 0 : index
    %get3A_1 = vector.load %arg1[%get3A, %get3A_0] : memref<8x100352xi32, #tpu.memory_space<vmem>>, vector<8x100352xi32>
    %broadcast_in_dim3A = arith.constant 0 : i32
    %broadcast_in_dim3A_2 = vector.broadcast %broadcast_in_dim3A : i32 to vector<8x1xi32>
    %scan3A = arith.constant 0 : i32
    %scan3A_3 = arith.constant 18 : i32
    %scan3A_4 = arith.addi %scan3A, %scan3A_3 : i32
    %scan3A_5 = arith.constant 1 : i32
    %scan3A_6:2 = scf.for %scan3A_39 = %scan3A to %scan3A_4 step %scan3A_5 iter_args(%scan3A_40 = %broadcast_in_dim3A_2, %scan3A_41 = %broadcast_in_dim3A_2) -> (vector<8x1xi32>, vector<8x1xi32>)  : i32 {
      %sub3A_42 = arith.constant 30 : i32
      %sub3A_43 = arith.subi %sub3A_42, %scan3A_39 : i32
      %shift_left3A = arith.constant 1 : i32
      %shift_left3A_44 = arith.shli %shift_left3A, %sub3A_43 : i32
      %or3A = vector.broadcast %shift_left3A_44 : i32 to vector<8x1xi32>
      %or3A_45 = arith.ori %scan3A_40, %or3A : vector<8x1xi32>
      %lt3A_46 = vector.broadcast %or3A_45 : vector<8x1xi32> to vector<8x100352xi32>
      %lt3A_47 = arith.cmpi slt, %get3A_1, %lt3A_46 : vector<8x100352xi32>
      %convert_element_type3A_48 = arith.extui %lt3A_47 : vector<8x100352xi1> to vector<8x100352xi32>
      %reduce_sum3A_49 = arith.constant dense<0> : vector<8xi32>
      %reduce_sum3A_50 = vector.multi_reduction <add>, %convert_element_type3A_48, %reduce_sum3A_49 [1] : vector<8x100352xi32> to vector<8xi32>
      %broadcast_in_dim3A_51 = vector.shape_cast %reduce_sum3A_50 : vector<8xi32> to vector<8x1xi32>
      %lt3A_52 = arith.constant 10000 : i32
      %lt3A_53 = vector.broadcast %lt3A_52 : i32 to vector<8x1xi32>
      %lt3A_54 = arith.cmpi slt, %broadcast_in_dim3A_51, %lt3A_53 : vector<8x1xi32>
      %select_n3A_55 = arith.select %lt3A_54, %or3A_45, %scan3A_40 : vector<8x1xi1>, vector<8x1xi32>
      %select_n3A_56 = arith.select %lt3A_54, %broadcast_in_dim3A_51, %scan3A_41 : vector<8x1xi1>, vector<8x1xi32>
      scf.yield %select_n3A_55, %select_n3A_56 : vector<8x1xi32>, vector<8x1xi32>
    }
    %scan3A_7 = arith.constant 18 : i32
    %get3A_8 = arith.constant 0 : index
    %get3A_9 = arith.constant 0 : index
    %get3A_10 = vector.load %arg2[%get3A_8, %get3A_9] : memref<8x100352xf32, #tpu.memory_space<vmem>>, vector<8x100352xf32>
    %lt3A = vector.broadcast %scan3A_6#0 : vector<8x1xi32> to vector<8x100352xi32>
    %lt3A_11 = arith.cmpi slt, %get3A_1, %lt3A : vector<8x100352xi32>
    %shift_right_arithmetic3A = arith.constant 13 : i32
    %shift_right_arithmetic3A_12 = vector.broadcast %shift_right_arithmetic3A : i32 to vector<8x100352xi32>
    %shift_right_arithmetic3A_13 = arith.shrsi %get3A_1, %shift_right_arithmetic3A_12 : vector<8x100352xi32>
    %shift_right_arithmetic3A_14 = arith.constant 13 : i32
    %shift_right_arithmetic3A_15 = vector.broadcast %shift_right_arithmetic3A_14 : i32 to vector<8x1xi32>
    %shift_right_arithmetic3A_16 = arith.shrsi %scan3A_6#0, %shift_right_arithmetic3A_15 : vector<8x1xi32>
    %eq3A = vector.broadcast %shift_right_arithmetic3A_16 : vector<8x1xi32> to vector<8x100352xi32>
    %eq3A_17 = arith.cmpi eq, %shift_right_arithmetic3A_13, %eq3A : vector<8x100352xi32>
    %squeeze3A = vector.shape_cast %scan3A_6#1 : vector<8x1xi32> to vector<8xi32>
    %convert_element_type3A = arith.extui %eq3A_17 : vector<8x100352xi1> to vector<8x100352xi32>
    %reduce_sum3A = arith.constant dense<0> : vector<8xi32>
    %reduce_sum3A_18 = vector.multi_reduction <add>, %convert_element_type3A, %reduce_sum3A [1] : vector<8x100352xi32> to vector<8xi32>
    %jit3A = arith.constant 0.000000e+00 : f32
    %broadcast_in_dim3A_19 = vector.broadcast %jit3A : f32 to vector<8x100352xf32>
    %select_n3A = arith.select %lt3A_11, %get3A_10, %broadcast_in_dim3A_19 : vector<8x100352xi1>, vector<8x100352xf32>
    %reduce_sum3A_20 = arith.constant dense<0.000000e+00> : vector<8xf32>
    %reduce_sum3A_21 = vector.multi_reduction <add>, %select_n3A, %reduce_sum3A_20 [1] : vector<8x100352xf32> to vector<8xf32>
    %jit3A_22 = arith.constant 0.000000e+00 : f32
    %broadcast_in_dim3A_23 = vector.broadcast %jit3A_22 : f32 to vector<8x100352xf32>
    %select_n3A_24 = arith.select %eq3A_17, %get3A_10, %broadcast_in_dim3A_23 : vector<8x100352xi1>, vector<8x100352xf32>
    %reduce_sum3A_25 = arith.constant dense<0.000000e+00> : vector<8xf32>
    %reduce_sum3A_26 = vector.multi_reduction <add>, %select_n3A_24, %reduce_sum3A_25 [1] : vector<8x100352xf32> to vector<8xf32>
    %sub3A = arith.constant 10000 : i32
    %sub3A_27 = vector.broadcast %sub3A : i32 to vector<8xi32>
    %sub3A_28 = arith.subi %sub3A_27, %squeeze3A : vector<8xi32>
    %convert_element_type3A_29 = arith.sitofp %sub3A_28 : vector<8xi32> to vector<8xf32>
    %mul3A = arith.mulf %convert_element_type3A_29, %reduce_sum3A_26 : vector<8xf32>
    %convert_element_type3A_30 = arith.sitofp %reduce_sum3A_18 : vector<8xi32> to vector<8xf32>
    %div3A = arith.divf %mul3A, %convert_element_type3A_30 : vector<8xf32>
    %add3A = arith.addf %reduce_sum3A_21, %div3A : vector<8xf32>
    %div3A_31 = arith.constant 1.000000e+04 : f32
    %div3A_32 = vector.broadcast %div3A_31 : f32 to vector<8xf32>
    %div3A_33 = arith.divf %add3A, %div3A_32 : vector<8xf32>
    %broadcast_in_dim3A_34 = vector.shape_cast %div3A_33 : vector<8xf32> to vector<8x1xf32>
    %broadcast_in_dim3A_35 = vector.shape_cast %broadcast_in_dim3A_34 : vector<8x1xf32> to vector<8x1xf32>
    %broadcast_in_dim3A_36 = vector.broadcast %broadcast_in_dim3A_35 : vector<8x1xf32> to vector<8x128xf32>
    %swap3A = arith.constant 0 : index
    %swap3A_37 = arith.constant 0 : index
    %swap3A_38 = vector.load %arg3[%swap3A, %swap3A_37] : memref<8x128xf32, #tpu.memory_space<vmem>>, vector<8x128xf32>
    tpu.vector_store %arg3[%swap3A, %swap3A_37], %broadcast_in_dim3A_36 {strides = array<i32>} : memref<8x128xf32, #tpu.memory_space<vmem>>, vector<8x128xf32>,
    return
  }
  func.func @transform_0(%arg0: i32) -> (i32, i32) {
    %c0_i32 = arith.constant 0 : i32
    %c0_i32_0 = arith.constant 0 : i32
    return %arg0, %c0_i32 : i32, i32
  }
  func.func @transform_1(%arg0: i32) -> (i32, i32) {
    %c0_i32 = arith.constant 0 : i32
    %c0_i32_0 = arith.constant 0 : i32
    return %arg0, %c0_i32 : i32, i32
  }
  func.func @transform_2(%arg0: i32) -> (i32, i32) {
    %c0_i32 = arith.constant 0 : i32
    %c0_i32_0 = arith.constant 0 : i32
    return %arg0, %c0_i32 : i32, i32
  }
}

</mosaic_0001>

<sc_bundles>
// kernel: kernel.6.cloned.1.call-start
scs
__scs_entry_jumppad:
0x0: {  	(pc) =	sbr.rel $0x88, $3  }
0x1: {  	(tag) =	ssettag $0x0;
	lr =	simm.s32 $0x1  }
0x2: {  	[smem:$0x3F9C] =	sst lr;
	_ =	strace $0xD0000000  }
0x3: {  	_ = 	snop  }
0x4: {  	_ = 	snop  }
0x5: {  	_ = 	snop  }
0x6: {  	_ = 	snop  }
0x7: {  	_ = 	snop  }
__scs_overlays_trampoline_lowered:
0x8: {  	[smem:$0x3FAB] =	sst s0  }
0x9: {  	[smem:$0x3FAC] =	sst s1  }
0xa: {  	[smem:$0x3FAD] =	sst s2  }
0xb: {  	[smem:$0x3FAE] =	sst s3  }
0xc: {  	[smem:$0x3FAF] =	sst s4  }
0xd: {  	[smem:$0x3FB0] =	sst s5  }
0xe: {  	[smem:$0x3FB1] =	sst s6  }
0xf: {  	[smem:$0x3FB2] =	sst s7  }
0x10: {  	[smem:$0x3FB3] =	sst s8  }
0x11: {  	[smem:$0x3FB4] =	sst s9;
	s0 =	simm.s32 @!p0 $0x0  }
0x12: {  	s1 =	sld [smem:$0x3F9A];
	s0 =	simm.s32 @p0 $0x1  }
0x13: {  	[smem:$0x3FB5] =	sst s0;
	s0 =	simm.s32 @!p1 $0x0  }
0x14: {  	s2 =	sld [smem:$0x3F99];
	s0 =	simm.s32 @p1 $0x1  }
0x15: {  	[smem:$0x3FB6] =	sst s0;
	s0 =	simm.s32 @!p2 $0x0  }
0x16: {  	s3 =	sld [smem:$0x3FDB];
	s0 =	simm.s32 @p2 $0x1  }
0x17: {  	s4 =	simm.s32 $0x1BF5;
	[smem:$0x3FB8] =	sst s0  }
0x18: {  	s0 =	sld [smem:$0x3F9B];
	_ =	swait.ge [sflag:s4], $0x0  }
0x19: {  	s7 =	sld [smem:$0x3F9C]  }
0x1a: {  	s8 =	sadd.s32 $0xFFFFE003, lr  }
0x1b: {  	s9 =	sadd.s32 $0xFFFFFEF7, lr;
	s5 =	simm.s32 $0xFFFFFFFF;
	p2 =	slt.u32 s8, $0xFFFFF086  }
0x1c: {  	p1 =	slt.u32 s9, $0xF7A;
	s5 =	simm.s32 @!p2 $0x0  }
0x1d: {  	s5 =	simm.s32 @p1 $0x1;
	p0 =	seq.s32 s7, s2  }
0x1e: {  	s7 =	smul.u32 @!p0 $0xF7A, s2;
	p2 =	seq.s32 @!p0 s5, $0x0  }
0x1f: {  	s9 =	smul.u32 $0xF7A, s1;
	s8 =	simm.s32 @!p0 $0x1BF5;
	p2 =	por !p2, p0  }
0x20: {  	[sflag:s8] =	ssyncset.s32 @!p0 $0xFFFFF086;
	s6 =	sadd.s32 @!p0 s3, s7;
	s7 =	simm.s32 @!p0 $0x108  }
0x21: {  	s3 =	sadd.s32 s3, s9;
	s6 =	sadd.s32 @!p0 $0x88, s6;
	s7 =	simm.s32 @p2 $0x1082  }
0x22: {  	[simem:s7], [sflag:s8] =	dma.local @!p0 [hbm:s6], $0xF7A  }
0x23: {  	s9 =	sor.u32 $0xD0000000, s2;
	s6 =	simm.s32 $0x108;
	_ =	swait.ge @!p0 [sflag:s8], $0x0  }
0x24: {  	s3 =	sadd.s32 $0x88, s3;
	s6 =	simm.s32 @!p1 $0x1082;
	[sflag:s4] =	ssyncset.s32 $0xFFFFF086  }
0x25: {  	[simem:s6], [sflag:s4] =	dma.local [hbm:s3], $0xF7A  }
0x26: {  	[smem:$0x3F9C] =	sst s1;
	(tag) =	ssettag s2;
	_ =	strace s9  }
0x27: {  	s1 =	sld [smem:$0x3FAC]  }
0x28: {  	s2 =	sld [smem:$0x3FAD]  }
0x29: {  	s4 =	sld [smem:$0x3FAF]  }
0x2a: {  	p0 =	seq.s32 s5, $0x0;
	s5 =	sld [smem:$0x3FB0]  }
0x2b: {  	s6 =	sld [smem:$0x3FB1]  }
0x2c: {  	s7 =	sld [smem:$0x3FB2]  }
0x2d: {  	s3 =	simm.s32 $0x108;
	s8 =	sld [smem:$0x3FB3]  }
0x2e: {  	s3 =	simm.s32 @!p0 $0x1082;
	s9 =	sld [smem:$0x3FB4]  }
0x2f: {  	lr =	sadd.s32 s0, s3;
	s0 =	sld [smem:$0x3FAB]  }
0x30: {  	s3 =	sld [smem:$0x3FAE]  }
0x31: {  	[smem:$0x3FB7] =	sst s10  }
0x32: {  	s10 =	sld [smem:$0x3FB5];
	_ =	sdelay $0x3  }
0x33: {  	p0 =	seq.s32 s10, $0x1;
	s10 =	sld [smem:$0x3FB7];
	_ =	sdelay $0x3  }
0x34: {  	[smem:$0x3FB7] =	sst s10  }
0x35: {  	s10 =	sld [smem:$0x3FB6];
	_ =	sdelay $0x3  }
0x36: {  	p1 =	seq.s32 s10, $0x1;
	s10 =	sld [smem:$0x3FB7];
	_ =	sdelay $0x3  }
0x37: {  	[smem:$0x3FB7] =	sst s10  }
0x38: {  	s10 =	sld [smem:$0x3FB8]  }
0x39: {  	_ = 	snop;
	(pc) =	sbr.ind lr, $3  }
0x3a: {  	_ = 	snop  }
0x3b: {  	_ = 	snop  }
0x3c: {  	p2 =	seq.s32 s10, $0x1;
	s10 =	sld [smem:$0x3FB7]  }
0x3d: {  	_ =	shalt  }
0x3e: {  	_ =	shalt  }
0x3f: {  	_ =	shalt  }
0x40: {  	_ =	shalt  }
0x41: {  	_ =	shalt  }
0x42: {  	_ =	shalt  }
0x43: {  	_ =	shalt  }
0x44: {  	_ =	shalt  }
0x45: {  	_ =	shalt  }
0x46: {  	_ =	shalt  }
0x47: {  	_ =	shalt  }
0x48: {  	_ =	shalt  }
0x49: {  	_ =	shalt  }
0x4a: {  	_ =	shalt  }
0x4b: {  	_ =	shalt  }
0x4c: {  	_ =	shalt  }
0x4d: {  	_ =	shalt  }
0x4e: {  	_ =	shalt  }
0x4f: {  	_ =	shalt  }
0x50: {  	_ =	shalt  }
0x51: {  	_ =	shalt  }
0x52: {  	_ =	shalt  }
0x53: {  	_ =	shalt  }
0x54: {  	_ =	shalt  }
0x55: {  	_ =	shalt  }
0x56: {  	_ =	shalt  }
0x57: {  	_ =	shalt  }
0x58: {  	_ =	shalt  }
0x59: {  	_ =	shalt  }
0x5a: {  	_ =	shalt  }
0x5b: {  	_ =	shalt  }
0x5c: {  	_ =	shalt  }
0x5d: {  	_ =	shalt  }
0x5e: {  	_ =	shalt  }
0x5f: {  	_ =	shalt  }
0x60: {  	_ =	shalt  }
0x61: {  	_ =	shalt  }
0x62: {  	_ =	shalt  }
0x63: {  	_ =	shalt  }
0x64: {  	_ =	shalt  }
0x65: {  	_ =	shalt  }
0x66: {  	_ =	shalt  }
0x67: {  	_ =	shalt  }
0x68: {  	_ =	shalt  }
0x69: {  	_ =	shalt  }
0x6a: {  	_ =	shalt  }
0x6b: {  	_ =	shalt  }
0x6c: {  	_ =	shalt  }
0x6d: {  	_ =	shalt  }
0x6e: {  	_ =	shalt  }
0x6f: {  	_ =	shalt  }
0x70: {  	_ =	shalt  }
0x71: {  	_ =	shalt  }
0x72: {  	_ =	shalt  }
0x73: {  	_ =	shalt  }
0x74: {  	_ =	shalt  }
0x75: {  	_ =	shalt  }
0x76: {  	_ =	shalt  }
0x77: {  	_ =	shalt  }
0x78: {  	_ =	shalt  }
0x79: {  	_ =	shalt  }
0x7a: {  	_ =	shalt  }
0x7b: {  	_ =	shalt  }
0x7c: {  	_ =	shalt  }
0x7d: {  	_ =	shalt  }
0x7e: {  	_ =	shalt  }
0x7f: {  	_ =	shalt  }
0x80: {  	_ =	shalt  }
0x81: {  	_ =	shalt  }
0x82: {  	_ =	shalt  }
0x83: {  	_ =	shalt  }
0x84: {  	_ =	shalt  }
0x85: {  	_ =	shalt  }
0x86: {  	_ =	shalt  }
0x87: {  	_ =	shalt  }
.Lfunc_end0:
.L_simem_size_0:
called_computation_lowered:
.L_overlay_start_0:
0x88: {  	s2 =	sld [smem:$0x3FD9]  }
0x89: {  	s3 =	sld [smem:$0x3FFE];
	_ =	sdelay $0x1  }
0x8a: {  	s1 =	srdreg.scid  }
0x8b: {  	s0 =	sand.u32 $0x1, s1  }
0x8c: {  	s17 =	sshll.u32 s0, $0xA;
	s2 =	sadd.s32 s3, s2  }
0x8d: {  	s2 =	sadd.s32 s2, s17  }
0x8e: {  	[smem:$0x3FC3] =	sst s2  }
0x8f: {  	_ = 	snop  }
0x90: {  	s2 =	sld [smem:$0x3FC7]  }
0x91: {  	s18 =	sld [smem:$0x3FC5]  }
0x92: {  	s4 =	sld [smem:$0x3FD0];
	(tm) =	ssettm $0x1  }
0x93: {  	s5 =	sld [smem:$0x3FFB];
	_ =	sdelay $0x3  }
0x94: {  	_ =	strace s5  }
0x95: {  	s5 =	sld [smem:$0x3FFC];
	_ =	sdelay $0x3  }
0x96: {  	_ =	strace s5  }
0x97: {  	s5 =	sld [smem:$0x3FFD];
	_ =	sdelay $0x3  }
0x98: {  	_ =	strace s5  }
0x99: {  	_ =	strace $0x8FFFFFFF  }
0x9a: {  	s19 =	sld [smem:$0x3FDB];
	_ =	sdelay $0x1  }
0x9b: {  	s6 =	simm.s32 $_scs_section_size  }
0x9c: {  	s7 =	simm.s32 $_size__tile_overlayer_lowered;
	s8 =	simm.s32 $_tile_overlayer_lowered  }
0x9d: {  	s22 =	simm.s32 $0x1BFF;
	s21 =	sshll.u32 s8, $0x1;
	s5 =	sadd.s32 s6, s19  }
0x9e: {  	s9 =	simm.s32 $0x0;
	s20 =	sshll.u32 s7, $0x1;
	s7 =	sadd.s32 s21, s5  }
0x9f: {  	[timem:s9], [sflag:s22] =	dma.local [hbm:s7], s20  }
0xa0: {  	_ =	swait.ge [sflag:s22], s20  }
0xa1: {  	s6 =	ssub.s32 $0x0, s20;
	[sflag:s22] =	ssyncset.done $0x0  }
0xa2: {  	[sflag:s22] =	ssyncadd.s32 s6;
	_ =	sdelay $0x1  }
0xa3: {  	s23 =	simm.s32 $0x1B8B  }
0xa4: {  	_ =	swait.ge [sflag:s23], $0x1  }
0xa5: {  	[sflag:s23] =	ssyncset.done $0x0  }
0xa6: {  	s25 =	simm.s32 $0x1B8E;
	s24 =	sld [smem:$0x3FFE];
	[sflag:s23] =	ssyncadd.s32 $0xFFFFFFFF  }
0xa7: {  	s26 =	simm.s32 $execute0_lowered;
	[smem:$0x3FD2] =	sst s25  }
0xa8: {  	s7 =	sshll.u32 s26, $0x1;
	_ =	strace $0x80000046;
	[dreg:$0x1] =	wrdreg $0xFFFFFFFF  }
0xa9: {  	s28 =	simm.s32 $_size_execute0_lowered;
	s5 =	sadd.s32 s5, s7;
	[dreg:$0x0] =	wrdreg $0x0  }
0xaa: {  	s7 =	sshll.u32 s28, $0x1;
	[dreg:$0x2] =	wrdreg s5  }
0xab: {  	[dreg:$0x3] =	wrdreg s7  }
0xac: {  	[dreg:$0x4] =	wrdreg $0xC0  }
0xad: {  	_ =	task [dreg:s9], $0x5FFFF  }
0xae: {  	[dreg:$0x1] =	wrdreg $0xFFFFFFFF  }
0xaf: {  	[dreg:$0x0] =	wrdreg $0x60  }
0xb0: {  	[dreg:$0x2] =	wrdreg s4  }
0xb1: {  	[dreg:$0x3] =	wrdreg s2  }
0xb2: {  	[dreg:$0x4] =	wrdreg s18  }
0xb3: {  	[dreg:$0x5] =	wrdreg s24  }
0xb4: {  	[dreg:$0x6] =	wrdreg $0x9  }
0xb5: {  	_ =	task.clear_ibuf [dreg:s9], $0x7FFFF;
	_ =	strace $0x90000046  }
0xb6: {  	s29 =	simm.s32 $0x9;
	_ =	strace $0x80000048  }
0xb7: {  	_ =	swait.ge [sflag:s29], $0x1  }
0xb8: {  	[sflag:s29] =	ssyncadd.s32 $0xFFFFFFFF  }
0xb9: {  	_ =	strace $0x90000048  }
0xba: {  	_ =	sfence  }
0xbb: {  	s30 =	sld [smem:$0x0];
	_ =	sdelay $0x2  }
0xbc: {  	s31 =	sshll.u32 s1, $0xD;
	s1 =	sshrl.u32 s1, $0x2  }
0xbd: {  	s3 =	sand.u32 $0x4000, s31;
	s1 =	sadd.s32 s1, s30  }
0xbe: {  	s0 =	sor.u32 s3, s0;
	s1 =	sshll.u32 s1, $0x11  }
0xbf: {  	s0 =	sor.u32 s1, s0  }
0xc0: {  	s0 =	sadd.s32 $0x8F2B, s0  }
0xc1: {  	[sflag:s0] =	ssyncadd.remote.s32 $0x1  }
0xc2: {  	_ =	sfence.sel $0xFFFF  }
0xc3: {  	[dreg:$0x0] =	wrdreg $0xFFFFFFFF;
	(pc) =	sbr.abs _section_cstart, $3  }
0xc4: {  	[dreg:$0x1] =	wrdreg $0xFFFFFFFF  }
0xc5: {  	_ =	task.clear_ibuf [dreg:s9], $0x2FFFF;
	_ =	strace $0x9FFFFFFF  }
0xc6: {  	(tm) =	ssettm $0x7FFFFFFF  }
0xc7: {  	_ =	shalt  }
tec
execute0_lowered:
.L_overlay_start_1:
0x0: {  	(tag) =	ssettag $0x1  }
0x1: {  	s2 =	stileid.u32  }
0x2: {  	s6 =	rddreg [dreg:$0x0];
	p0 =	sgt.u32 s2, $0x3  }
.Ltmp0:
0x3: {  	s1 =	rddreg [dreg:$0x1];
	(pc) =	sbr.rel @p0 .LBB2_3-.Ltmp0, $4  }
0x4: {  	s3 =	rddreg [dreg:$0x2]  }
0x5: {  	s5 =	rddreg [dreg:$0x3];
	s4 =	simm.s32 $0x0  }
0x6: {  	[smem:$0x7FF] =	sst s4  }
0x7: {  	s0 =	rddreg [dreg:$0x4];
	_ =	strace $0x80000047  }
0x8: {  	s7 =	srdreg.scid;
	s8 =	sshll.u32 s2, $0x1  }
0x9: {  	s10 =	simm.s32 $0x8;
	s11 =	simm.s32 $0x80;
	s7 =	sand.u32 $0x1, s7  }
0xa: {  	s12 =	simm.s32 $0x1;
	s8 =	sor.u32 s7, s8;
	s7 =	ssub.s32 $0x2, s7  }
0xb: {  	s9 =	sshll.u32 s8, $0x7;
	s31 =	sshrl.u32 s7, $0x1;
	s6 =	sadd.s32 s6, s8  }
0xc: {  	s8 =	simm.s32 $0x2;
	s5 =	sadd.s32 s9, s5;
	s7 =	ssub.s32 s7, s31  }
0xd: {  	s9 =	simm.s32 $0x480;
	s5 =	sadd.s32 $0x200, s5;
	s7 =	smax.u32 s7, $0x1  }
.LBB2_2:
0xe: {  	[tilespmem:s4], [sflag:$0x2] =	stream.linear.gather [hbm4b:s6+s4], $0x8, $0x38;
	[tilespmem:$0x500] =	vst v63  }
0xf: {  	_ =	swait.ge [sflag:s8], $0x8  }
0x10: {  	[sflag:s8] =	ssyncset.done $0x0  }
0x11: {  	[sflag:s8] =	ssyncadd.s32 $0xFFFFFFF8  }
0x12: {  	[tilespmem:s9], [sflag:$0x2] =	stream.linear.gather [hbm4b:s3+s4], $0x80, $0x38;
	[tilespmem:$0x500] =	vst v63  }
0x13: {  	_ =	swait.ge [sflag:s8], $0x80  }
0x14: {  	[sflag:s8] =	ssyncset.done $0x0  }
0x15: {  	[sflag:s8] =	ssyncadd.s32 $0xFFFFFF80  }
0x16: {  	[tilespmem:s11], [sflag:$0x1] =	stream.indirect.gather [hbm4b:s1+s10], $0x80, s4, s10, $0xb8;
	[tilespmem:$0x500] =	vst v63  }
0x17: {  	_ =	swait.ge [sflag:s12], $0x400  }
0x18: {  	[sflag:s12] =	ssyncset.done $0x0  }
0x19: {  	[sflag:s12] =	ssyncadd.s32 $0xFFFFFC00  }
0x1a: {  	v0 =	vld [tilespmem:$0x80]  }
0x1b: {  	v1 =	vld [tilespmem:$0x480]  }
0x1c: {  	v2 =	vld [tilespmem:$0x90]  }
0x1d: {  	v3 =	vld [tilespmem:$0x490]  }
0x1e: {  	v4 =	vld [tilespmem:$0xA0]  }
0x1f: {  	v5 =	vld [tilespmem:$0x4A0]  }
0x20: {  	v6 =	vld [tilespmem:$0xB0]  }
0x21: {  	v7 =	vld [tilespmem:$0x4B0]  }
0x22: {  	v8 =	vld [tilespmem:$0xC0]  }
0x23: {  	v9 =	vld [tilespmem:$0x4C0]  }
0x24: {  	v10 =	vld [tilespmem:$0xD0]  }
0x25: {  	v11 =	vld [tilespmem:$0x4D0]  }
0x26: {  	v12 =	vld [tilespmem:$0xE0]  }
0x27: {  	v13 =	vld [tilespmem:$0x4E0]  }
0x28: {  	v14 =	vld [tilespmem:$0xF0]  }
0x29: {  	v15 =	vld [tilespmem:$0x4F0]  }
0x2a: {  	v16 =	vld [tilespmem:$0x100]  }
0x2b: {  	v17 =	vld [tilespmem:$0x480]  }
0x2c: {  	v18 =	vld [tilespmem:$0x110]  }
0x2d: {  	v19 =	vld [tilespmem:$0x490]  }
0x2e: {  	v20 =	vld [tilespmem:$0x120]  }
0x2f: {  	v21 =	vld [tilespmem:$0x4A0]  }
0x30: {  	v22 =	vld [tilespmem:$0x130]  }
0x31: {  	v23 =	vld [tilespmem:$0x4B0]  }
0x32: {  	v24 =	vld [tilespmem:$0x140]  }
0x33: {  	v25 =	vld [tilespmem:$0x4C0]  }
0x34: {  	v26 =	vld [tilespmem:$0x150]  }
0x35: {  	v27 =	vld [tilespmem:$0x4D0]  }
0x36: {  	v28 =	vld [tilespmem:$0x160]  }
0x37: {  	v29 =	vld [tilespmem:$0x4E0]  }
0x38: {  	v30 =	vld [tilespmem:$0x170]  }
0x39: {  	v31 =	vld [tilespmem:$0x4F0]  }
0x3a: {  	v32 =	vld [tilespmem:$0x180]  }
0x3b: {  	v33 =	vld [tilespmem:$0x480]  }
0x3c: {  	v34 =	vld [tilespmem:$0x190]  }
0x3d: {  	v35 =	vld [tilespmem:$0x490]  }
0x3e: {  	v36 =	vld [tilespmem:$0x1A0]  }
0x3f: {  	v37 =	vld [tilespmem:$0x4A0]  }
0x40: {  	v38 =	vld [tilespmem:$0x1B0]  }
0x41: {  	v39 =	vld [tilespmem:$0x4B0]  }
0x42: {  	v40 =	vld [tilespmem:$0x1C0]  }
0x43: {  	v41 =	vld [tilespmem:$0x4C0]  }
0x44: {  	v42 =	vld [tilespmem:$0x1D0]  }
0x45: {  	v43 =	vld [tilespmem:$0x4D0]  }
0x46: {  	v44 =	vld [tilespmem:$0x1E0]  }
0x47: {  	v45 =	vld [tilespmem:$0x4E0]  }
0x48: {  	v46 =	vld [tilespmem:$0x1F0]  }
0x49: {  	v47 =	vld [tilespmem:$0x4F0]  }
0x4a: {  	v48 =	vld [tilespmem:$0x200]  }
0x4b: {  	v49 =	vld [tilespmem:$0x480]  }
0x4c: {  	v50 =	vld [tilespmem:$0x210]  }
0x4d: {  	v51 =	vld [tilespmem:$0x490]  }
0x4e: {  	v52 =	vld [tilespmem:$0x220]  }
0x4f: {  	v53 =	vld [tilespmem:$0x4A0]  }
0x50: {  	v54 =	vld [tilespmem:$0x230]  }
0x51: {  	v55 =	vld [tilespmem:$0x4B0]  }
0x52: {  	v56 =	vld [tilespmem:$0x240]  }
0x53: {  	v57 =	vld [tilespmem:$0x4C0]  }
0x54: {  	v58 =	vld [tilespmem:$0x250]  }
0x55: {  	v62 =	vld [tilespmem:$0x270]  }
0x56: {  	v59 =	vld [tilespmem:$0x4D0]  }
0x57: {  	v60 =	vld [tilespmem:$0x260]  }
0x58: {  	v61 =	vld [tilespmem:$0x4E0]  }
0x59: {  	v63 =	vld [tilespmem:$0x4F0]  }
0x5a: {  	[tilespmem:$0x1FFA0] =	vst v62;
	v62 =	vld [tilespmem:$0x280]  }
0x5b: {  	v0 =	vmul.f32 v1, v0;
	v1 =	vld [tilespmem:$0x4A0]  }
0x5c: {  	v2 =	vmul.f32 v3, v2;
	v3 =	vld [tilespmem:$0x2B0]  }
0x5d: {  	v9 =	vmul.f32 v9, v8;
	v8 =	vld [tilespmem:$0x4D0]  }
0x5e: {  	v13 =	vmul.f32 v13, v12;
	v12 =	vld [tilespmem:$0x4F0]  }
0x5f: {  	v15 =	vmul.f32 v15, v14;
	v14 =	vld [tilespmem:$0x480]  }
0x60: {  	v17 =	vmul.f32 v17, v16;
	v16 =	vld [tilespmem:$0x490]  }
0x61: {  	v19 =	vmul.f32 v19, v18;
	v18 =	vld [tilespmem:$0x4A0]  }
0x62: {  	v23 =	vmul.f32 v23, v22;
	v22 =	vld [tilespmem:$0x4C0];
	[tilespmem:$0x80] =	vst v0  }
0x63: {  	v25 =	vmul.f32 v25, v24;
	v24 =	vld [tilespmem:$0x4D0];
	[tilespmem:$0x90] =	vst v2  }
0x64: {  	v21 =	vmul.f32 v21, v20;
	v27 =	vmul.f32 v27, v26;
	v26 =	vld [tilespmem:$0x4E0];
	[tilespmem:$0xC0] =	vst v9  }
0x65: {  	v31 =	vmul.f32 v31, v30;
	v30 =	vmul.f32 v45, v44;
	v45 =	vld [tilespmem:$0x4B0];
	[tilespmem:$0xE0] =	vst v13  }
0x66: {  	v33 =	vmul.f32 v33, v32;
	v32 =	vmul.f32 v49, v48;
	v49 =	vld [tilespmem:$0x4C0];
	[tilespmem:$0xF0] =	vst v15  }
0x67: {  	v35 =	vmul.f32 v35, v34;
	v34 =	vmul.f32 v53, v52;
	v53 =	vld [tilespmem:$0x4D0];
	[tilespmem:$0x100] =	vst v17  }
0x68: {  	v37 =	vmul.f32 v37, v36;
	v36 =	vmul.f32 v57, v56;
	v57 =	vld [tilespmem:$0x4E0];
	[tilespmem:$0x110] =	vst v19  }
0x69: {  	v0 =	vmul.f32 v5, v4;
	v4 =	vld [tilespmem:$0x4B0];
	[tilespmem:$0x120] =	vst v21  }
0x6a: {  	v5 =	vld [tilespmem:$0x2C0];
	[tilespmem:$0x130] =	vst v23  }
0x6b: {  	v29 =	vmul.f32 v29, v28;
	v9 =	vld [tilespmem:$0x2E0];
	[tilespmem:$0x140] =	vst v25  }
0x6c: {  	v13 =	vld [tilespmem:$0x300];
	[tilespmem:$0x150] =	vst v27  }
0x6d: {  	v15 =	vld [tilespmem:$0x310];
	[tilespmem:$0x160] =	vst v29  }
0x6e: {  	v17 =	vld [tilespmem:$0x320];
	[tilespmem:$0x170] =	vst v31  }
0x6f: {  	v19 =	vld [tilespmem:$0x330];
	[tilespmem:$0x180] =	vst v33  }
0x70: {  	v28 =	vmul.f32 v41, v40;
	[tilespmem:$0x190] =	vst v35;
	v21 =	vld [tilespmem:$0x340]  }
0x71: {  	[tilespmem:$0x1A0] =	vst v37;
	v23 =	vld [tilespmem:$0x350]  }
0x72: {  	[tilespmem:$0x1C0] =	vst v28;
	v25 =	vld [tilespmem:$0x360]  }
0x73: {  	[tilespmem:$0x1E0] =	vst v30;
	v28 =	vld [tilespmem:$0x4F0]  }
0x74: {  	[tilespmem:$0x200] =	vst v32;
	v30 =	vld [tilespmem:$0x480]  }
0x75: {  	[tilespmem:$0x220] =	vst v34;
	v32 =	vld [tilespmem:$0x490]  }
0x76: {  	v27 =	vmul.f32 v39, v38;
	[tilespmem:$0x240] =	vst v36;
	v39 =	vld [tilespmem:$0x1FFA0]  }
0x77: {  	v34 =	vld [tilespmem:$0x4A0];
	[tilespmem:$0xA0] =	vst v0  }
0x78: {  	v29 =	vmul.f32 v43, v42;
	v31 =	vmul.f32 v47, v46;
	v47 =	vld [tilespmem:$0x3C0];
	[tilespmem:$0x1B0] =	vst v27  }
0x79: {  	[tilespmem:$0x1FFB0] =	vst v62;
	v62 =	vld [tilespmem:$0x480]  }
0x7a: {  	v33 =	vmul.f32 v51, v50;
	v51 =	vld [tilespmem:$0x3D0];
	[tilespmem:$0x1D0] =	vst v29  }
0x7b: {  	v35 =	vmul.f32 v55, v54;
	v55 =	vld [tilespmem:$0x3E0];
	[tilespmem:$0x1F0] =	vst v31  }
0x7c: {  	v37 =	vmul.f32 v59, v58;
	v59 =	vld [tilespmem:$0x3F0];
	[tilespmem:$0x210] =	vst v33  }
0x7d: {  	v38 =	vmul.f32 v61, v60;
	v61 =	vld [tilespmem:$0x4F0];
	[tilespmem:$0x230] =	vst v35  }
0x7e: {  	[tilespmem:$0x1FFC0] =	vst v62;
	v62 =	vld [tilespmem:$0x290]  }
0x7f: {  	v27 =	vld [tilespmem:$0x370];
	[tilespmem:$0x250] =	vst v37;
	v2 =	vmul.f32 v63, v39  }
0x80: {  	v29 =	vld [tilespmem:$0x380];
	[tilespmem:$0x260] =	vst v38;
	v46 =	vmul.f32 v4, v3  }
0x81: {  	v31 =	vld [tilespmem:$0x390];
	[tilespmem:$0x270] =	vst v2  }
0x82: {  	v33 =	vld [tilespmem:$0x3A0];
	v56 =	vmul.f32 v14, v13;
	[tilespmem:$0x2B0] =	vst v46  }
0x83: {  	v58 =	vmul.f32 v16, v15;
	[tilespmem:$0x1FFD0] =	vst v62;
	v62 =	vld [tilespmem:$0x490]  }
0x84: {  	v35 =	vld [tilespmem:$0x3B0];
	v60 =	vmul.f32 v18, v17;
	[tilespmem:$0x300] =	vst v56  }
0x85: {  	v37 =	vld [tilespmem:$0x420];
	v21 =	vmul.f32 v22, v21;
	[tilespmem:$0x310] =	vst v58  }
0x86: {  	v40 =	vld [tilespmem:$0x1FFB0];
	[tilespmem:$0x320] =	vst v60  }
0x87: {  	v23 =	vmul.f32 v24, v23;
	[tilespmem:$0x340] =	vst v21;
	v41 =	vld [tilespmem:$0x1FFC0]  }
0x88: {  	v25 =	vmul.f32 v26, v25;
	[tilespmem:$0x1FFE0] =	vst v62;
	v62 =	vld [tilespmem:$0x2A0]  }
0x89: {  	[tilespmem:$0x350] =	vst v23;
	v36 =	vmul.f32 v28, v27;
	v42 =	vld [tilespmem:$0x1FFD0]  }
0x8a: {  	[tilespmem:$0x360] =	vst v25;
	v38 =	vmul.f32 v30, v29;
	v43 =	vld [tilespmem:$0x1FFE0]  }
0x8b: {  	v63 =	vld [tilespmem:$0x400];
	[tilespmem:$0x370] =	vst v36  }
0x8c: {  	v22 =	vld [tilespmem:$0x480];
	[tilespmem:$0x380] =	vst v38;
	v0 =	vmul.f32 v41, v40  }
0x8d: {  	v40 =	vmul.f32 v32, v31;
	[tilespmem:$0x1FFF0] =	vst v62;
	v62 =	vmul.f32 v7, v6;
	v6 =	vld [tilespmem:$0x4C0]  }
0x8e: {  	[tilespmem:$0x280] =	vst v0;
	v7 =	vld [tilespmem:$0x2D0]  }
0x8f: {  	[tilespmem:$0x390] =	vst v40;
	v2 =	vmul.f32 v43, v42;
	v44 =	vld [tilespmem:$0x1FFF0]  }
0x90: {  	v24 =	vld [tilespmem:$0x410];
	v42 =	vmul.f32 v34, v33;
	[tilespmem:$0xB0] =	vst v62  }
0x91: {  	v26 =	vld [tilespmem:$0x490];
	v62 =	vmul.f32 v11, v10;
	[tilespmem:$0x290] =	vst v2  }
0x92: {  	v39 =	vld [tilespmem:$0x4A0];
	[tilespmem:$0x3A0] =	vst v42;
	v48 =	vmul.f32 v6, v5  }
0x93: {  	v46 =	vld [tilespmem:$0x4C0];
	[tilespmem:$0xD0] =	vst v62;
	v50 =	vmul.f32 v8, v7  }
0x94: {  	v56 =	vld [tilespmem:$0x470];
	v0 =	vmul.f32 v1, v44;
	[tilespmem:$0x2C0] =	vst v48  }
0x95: {  	v58 =	vld [tilespmem:$0x4F0];
	v1 =	vmul.f32 v45, v35;
	[tilespmem:$0x2D0] =	vst v50  }
0x96: {  	v41 =	vld [tilespmem:$0x430];
	v45 =	vmul.f32 v49, v47;
	[tilespmem:$0x2A0] =	vst v0  }
0x97: {  	v10 =	vld [tilespmem:$0x4E0];
	v47 =	vmul.f32 v53, v51;
	[tilespmem:$0x3B0] =	vst v1  }
0x98: {  	v11 =	vld [tilespmem:$0x2F0];
	v49 =	vmul.f32 v57, v55;
	[tilespmem:$0x3C0] =	vst v45  }
0x99: {  	v43 =	vld [tilespmem:$0x4B0];
	v51 =	vmul.f32 v61, v59;
	[tilespmem:$0x3D0] =	vst v47  }
0x9a: {  	v62 =	vld [tilespmem:$0x4B0];
	v53 =	vmul.f32 v22, v63;
	[tilespmem:$0x3E0] =	vst v49  }
0x9b: {  	v44 =	vld [tilespmem:$0x440];
	v55 =	vmul.f32 v26, v24;
	[tilespmem:$0x3F0] =	vst v51  }
0x9c: {  	v52 =	vmul.f32 v10, v9;
	v48 =	vld [tilespmem:$0x450];
	[tilespmem:$0x400] =	vst v53  }
0x9d: {  	v54 =	vmul.f32 v12, v11;
	v50 =	vld [tilespmem:$0x4D0];
	[tilespmem:$0x410] =	vst v55  }
0x9e: {  	v57 =	vmul.f32 v39, v37;
	[tilespmem:$0x2E0] =	vst v52;
	v52 =	vld [tilespmem:$0x460]  }
0x9f: {  	v59 =	vmul.f32 v43, v41;
	[tilespmem:$0x2F0] =	vst v54;
	v54 =	vld [tilespmem:$0x4E0]  }
0xa0: {  	v63 =	vmul.f32 v58, v56;
	[tilespmem:$0x420] =	vst v57  }
0xa1: {  	[tilespmem:$0x430] =	vst v59;
	v62 =	vmul.f32 v62, v19  }
0xa2: {  	[tilespmem:$0x470] =	vst v63;
	v60 =	vmul.f32 v46, v44  }
0xa3: {  	[tilespmem:$0x330] =	vst v62;
	v61 =	vmul.f32 v50, v48  }
0xa4: {  	[tilespmem:$0x440] =	vst v60;
	v62 =	vmul.f32 v54, v52  }
0xa5: {  	p0 =	sne.s32 s7, $0x1;
	[tilespmem:$0x450] =	vst v61  }
.Ltmp1:
0xa6: {  	[tilespmem:$0x460] =	vst v62;
	(pc) =	sbr.rel @p0 .LBB2_2-.Ltmp1, $4  }
0xa7: {  	[hbm4b:s5+s4] =	stream.linear.scatter [tilespmem:s11], [sflag:$0x2], $0x400, $0x38;
	[tilespmem:$0x500] =	vst v63  }
0xa8: {  	_ =	swait.ge [sflag:s8], $0x400  }
0xa9: {  	[sflag:s8] =	ssyncset.done $0x0  }
0xaa: {  	s7 =	sadd.s32 $0xFFFFFFFF, s7;
	[sflag:s8] =	ssyncadd.s32 $0xFFFFFC00  }
.LBB2_3:
0xab: {  	_ =	sfence.sel $0x180000  }
0xac: {  	[bflag:$0x0] =	sbarrier.arrive $0xFFFF  }
0xad: {  	p0 =	sne.s32 s2, $0x0;
	_ =	strace $0x90000047  }
0xae: {  	s0 =	sadd.s32 @!p0 $0x100000, s0;
	[bflag:$0x2] =	sbarrier.arrive $0xFFFF  }
0xaf: {  	[sflag:s0] =	ssyncadd.tile.s32 @!p0 $0x1;
	_ =	shalt  }
.Lfunc_end2:
_tile_overlayer_lowered:
.L_overlay_start_2:
0xb0: {  	(tag) =	ssettag $0x2  }
0xb1: {  	s0 =	rddreg [dreg:$0x0];
	s2 =	stileid.u32  }
0xb2: {  	s1 =	rddreg [dreg:$0x1];
	p0 =	sne.s32 s2, $0x0  }
0xb3: {  	s3 =	rddreg [dreg:$0x2];
	[bflag:$0x3] =	sbarrier.arrive $0xFFFF;
	s2 =	simm.s32 @!p0 $0x1C02  }
0xb4: {  	[timem:s3], [sflag:s2] =	dma.local @!p0 [hbm:s0], s1  }
0xb5: {  	s0 =	simm.s32 @!p0 $0x2  }
0xb6: {  	_ =	swait.ge @!p0 [sflag:s0], s1  }
0xb7: {  	s1 =	ssub.s32 @!p0 $0x0, s1;
	[sflag:s0] =	ssyncset.done @!p0 $0x0  }
0xb8: {  	[sflag:s0] =	ssyncadd.s32 @!p0 s1  }
0xb9: {  	[bflag:$0x3] =	sbarrier.arrive $0xFFFF  }
0xba: {  	_ =	shalt  }

</sc_bundles>
